<compile_context>
chip_gen: v7x
topology: tpu7x:2x2x1
jax: 0.10.2.dev20260603
libtpu: 0.0.44.dev20260713+nightly
codegen_flags: <defaults>
</compile_context>

<pallas_src>
import functools

import jax
import jax.numpy as jnp
from jax import lax
from jax.experimental import pallas as pl
from jax.experimental.pallas import tpu as pltpu
from jax.experimental.pallas import tpu_sc as plsc

ROWS = 128
COLS = 100000
NW = 32
SPAN = 3136
BLK = 392
NBLK = SPAN // BLK
NACC = ROWS // 16
LAST_START = COLS - BLK
NEG_INF = float("-inf")


def _scan_block(buf, r0, carry):
    vms, vits = carry

    def step(i, c):
        vms, vits = c
        ib = jnp.broadcast_to(r0 + i, (16,))
        nm, ni = [], []
        for k in range(NACC):
            v = buf[i, pl.ds(k * 16, 16)]
            pred = v > vms[k]
            ni.append(jnp.where(pred, ib, vits[k]))
            nm.append(jnp.maximum(vms[k], v))
        return tuple(nm), tuple(ni)

    return lax.fori_loop(0, BLK, step, (vms, vits), unroll=2)


def _greedy_body(xt_hbm, outi_hbm, outv_hbm, buf0, buf1, stage_v, stage_i,
                 pval_v, pidx_v, shval, shidx, sem0, sem1):
    cid = lax.axis_index("c")
    sid = lax.axis_index("s")
    w = cid * 16 + sid
    r0 = w * SPAN
    bufs = (buf0, buf1)
    sems = (sem0, sem1)

    def blk_start(t):
        return pl.multiple_of(jnp.minimum(r0 + t * BLK, LAST_START), 8)

    def start(t, b):
        pltpu.make_async_copy(
            xt_hbm.at[pl.ds(blk_start(t), BLK), :], bufs[b], sems[b]
        ).start()

    def wait(b):
        pltpu.make_async_copy(
            xt_hbm.at[pl.ds(pl.multiple_of(r0, 8), BLK), :], bufs[b], sems[b]
        ).wait()

    start(0, 0)
    start(1, 1)
    init = (
        tuple(jnp.full((16,), NEG_INF, jnp.float32) for _ in range(NACC)),
        tuple(jnp.full((16,), 0, jnp.int32) for _ in range(NACC)),
    )

    def pair(tp, carry):
        for b in range(2):
            t = tp * 2 + b
            wait(b)
            carry = _scan_block(bufs[b], blk_start(t), carry)

            @pl.when(t + 2 < NBLK)
            def _():
                start(t + 2, b)

        return carry

    vms, vits = lax.fori_loop(0, NBLK // 2, pair, init)
    for k in range(NACC):
        stage_v[pl.ds(k * 16, 16)] = vms[k]
        stage_i[pl.ds(k * 16, 16)] = vits[k]
    pltpu.sync_copy(stage_v, shval.at[sid])
    pltpu.sync_copy(stage_i, shidx.at[sid])
    plsc.subcore_barrier()

    @pl.when(sid == 0)
    def _():
        def fold(s, c):
            accs, acci = c
            pltpu.sync_copy(shval.at[s], pval_v)
            pltpu.sync_copy(shidx.at[s], pidx_v)
            na, ni = [], []
            for k in range(NACC):
                pv = pval_v[pl.ds(k * 16, 16)]
                pi = pidx_v[pl.ds(k * 16, 16)]
                take = pv > accs[k]
                ni.append(jnp.where(take, pi, acci[k]))
                na.append(jnp.maximum(accs[k], pv))
            return tuple(na), tuple(ni)

        accs, acci = lax.fori_loop(1, 16, fold, (vms, vits))
        for k in range(NACC):
            stage_v[pl.ds(k * 16, 16)] = accs[k]
            stage_i[pl.ds(k * 16, 16)] = acci[k]
        pltpu.sync_copy(stage_i, outi_hbm.at[cid])
        pltpu.sync_copy(stage_v, outv_hbm.at[cid])


@jax.jit
def kernel(m_logits):
    xt = m_logits.T
    mesh = plsc.VectorSubcoreMesh(core_axis_name="c", subcore_axis_name="s")
    idx2, val2 = pl.kernel(
        _greedy_body,
        out_type=(
            jax.ShapeDtypeStruct((2, 128), jnp.int32),
            jax.ShapeDtypeStruct((2, 128), jnp.float32),
        ),
        mesh=mesh,
        scratch_types=[
            pltpu.VMEM((BLK, 128), jnp.float32),
            pltpu.VMEM((BLK, 128), jnp.float32),
            pltpu.VMEM((128,), jnp.float32),
            pltpu.VMEM((128,), jnp.int32),
            pltpu.VMEM((128,), jnp.float32),
            pltpu.VMEM((128,), jnp.int32),
            pltpu.VMEM_SHARED((16, 128), jnp.float32),
            pltpu.VMEM_SHARED((16, 128), jnp.int32),
            pltpu.SemaphoreType.DMA,
            pltpu.SemaphoreType.DMA,
        ],
    )(xt)
    token = jnp.where(val2[1] > val2[0], idx2[1], idx2[0])
    return token.reshape(ROWS, 1).astype(jnp.int64)

# --- scband reference (transcript-rebuilt; emitter-appended) ---
"""Pipeline reference for scband-greedy-head-7026566496664 (READ-ONLY COPY).

The authoritative reference and input builder live on the scoring server;
editing this copy changes nothing except your own understanding.
"""

import jax, jax.numpy as jnp
import numpy as np

def setup_inputs(seed: int = 0) -> dict:
    key = jax.random.key(seed)
    m_logits = jax.random.normal(key, (128, 100000), dtype=jnp.float32)
    return {"m_logits": m_logits}

def reference(m_logits):
    # torch: _, token = torch.topk(m_logits.float(), 1); return token
    _, token = jax.lax.top_k(m_logits.astype(jnp.float32), 1)
    return token.astype(jnp.int64)

if __name__ == "__main__":
    import jax
    _d = setup_inputs()
    print(jax.jit(kernel)(*tuple(_d.values())))

</pallas_src>

<mosaic_0001>
#map = affine_map<(d0, d1) -> (0, 0)>
module attributes {stable_mosaic.version = 14 : i64} {
  func.func @_greedy_body(%arg0: i32, %arg1: i32, %arg2: memref<100000x128xf32, #tpu.memory_space<hbm>>, %arg3: memref<2x128xi32, #tpu.memory_space<hbm>>, %arg4: memref<2x128xf32, #tpu.memory_space<hbm>>, %arg5: memref<392x128xf32, #tpu.memory_space<vmem>>, %arg6: memref<392x128xf32, #tpu.memory_space<vmem>>, %arg7: memref<128xf32, #tpu.memory_space<vmem>>, %arg8: memref<128xi32, #tpu.memory_space<vmem>>, %arg9: memref<128xf32, #tpu.memory_space<vmem>>, %arg10: memref<128xi32, #tpu.memory_space<vmem>>, %arg11: memref<16x128xf32, #tpu.memory_space<vmem_shared>>, %arg12: memref<16x128xi32, #tpu.memory_space<vmem_shared>>, %arg13: memref<!tpu.dma_semaphore, #tpu.memory_space<semaphore_mem>>, %arg14: memref<!tpu.dma_semaphore, #tpu.memory_space<semaphore_mem>>) attributes {dimension_semantics = [#tpu.dimension_semantics<core_parallel>, #tpu.dimension_semantics<subcore_parallel>], iteration_bounds = array<i64: 2, 16>, scalar_prefetch = 0 : i64, scratch_operands = 10 : i64, tpu.core_type = #tpu.core_type<sc_vector_subcore>, window_params = [{transform_indices = #map}, {transform_indices = #map}, {transform_indices = #map}]} {
    %mul3A = arith.constant 16 : i32
    %mul3A_0 = arith.muli %arg0, %mul3A : i32
    %add3A = arith.addi %mul3A_0, %arg1 : i32
    %mul3A_1 = arith.constant 3136 : i32
    %mul3A_2 = arith.muli %add3A, %mul3A_1 : i32
    %add3A_3 = arith.constant 0 : i32
    %add3A_4 = arith.addi %mul3A_2, %add3A_3 : i32
    %min3A = arith.constant 99608 : i32
    %min3A_5 = arith.minsi %add3A_4, %min3A : i32
    %multiple_of3A = tpu.assume_multiple %min3A_5, 8 : i32
    %dma_start3A = arith.constant 0 : i32
    %dma_start3A_6 = tpu.memref_slice %arg2[%multiple_of3A, %dma_start3A] : memref<100000x128xf32, #tpu.memory_space<hbm>> -> memref<392x128xf32, #tpu.memory_space<hbm>>
    %dma_start3A_7 = arith.constant 0 : i32
    %dma_start3A_8 = tpu.memref_slice %arg2[%multiple_of3A, %dma_start3A_7] : memref<100000x128xf32, #tpu.memory_space<hbm>> -> memref<392x128xf32, #tpu.memory_space<hbm>>
    tpu.enqueue_dma source(%dma_start3A_8 : memref<392x128xf32, #tpu.memory_space<hbm>>) target(%arg5 : memref<392x128xf32, #tpu.memory_space<vmem>>) target_semaphore(%arg13 : memref<!tpu.dma_semaphore, #tpu.memory_space<semaphore_mem>>)
    %add3A_9 = arith.constant 392 : i32
    %add3A_10 = arith.addi %mul3A_2, %add3A_9 : i32
    %min3A_11 = arith.constant 99608 : i32
    %min3A_12 = arith.minsi %add3A_10, %min3A_11 : i32
    %multiple_of3A_13 = tpu.assume_multiple %min3A_12, 8 : i32
    %dma_start3A_14 = arith.constant 0 : i32
    %dma_start3A_15 = tpu.memref_slice %arg2[%multiple_of3A_13, %dma_start3A_14] : memref<100000x128xf32, #tpu.memory_space<hbm>> -> memref<392x128xf32, #tpu.memory_space<hbm>>
    %dma_start3A_16 = arith.constant 0 : i32
    %dma_start3A_17 = tpu.memref_slice %arg2[%multiple_of3A_13, %dma_start3A_16] : memref<100000x128xf32, #tpu.memory_space<hbm>> -> memref<392x128xf32, #tpu.memory_space<hbm>>
    tpu.enqueue_dma source(%dma_start3A_17 : memref<392x128xf32, #tpu.memory_space<hbm>>) target(%arg6 : memref<392x128xf32, #tpu.memory_space<vmem>>) target_semaphore(%arg14 : memref<!tpu.dma_semaphore, #tpu.memory_space<semaphore_mem>>)
    %broadcast_in_dim3A = arith.constant 0xFF800000 : f32
    %broadcast_in_dim3A_18 = vector.broadcast %broadcast_in_dim3A : f32 to vector<16xf32>
    %broadcast_in_dim3A_19 = arith.constant 0xFF800000 : f32
    %broadcast_in_dim3A_20 = vector.broadcast %broadcast_in_dim3A_19 : f32 to vector<16xf32>
    %broadcast_in_dim3A_21 = arith.constant 0xFF800000 : f32
    %broadcast_in_dim3A_22 = vector.broadcast %broadcast_in_dim3A_21 : f32 to vector<16xf32>
    %broadcast_in_dim3A_23 = arith.constant 0xFF800000 : f32
    %broadcast_in_dim3A_24 = vector.broadcast %broadcast_in_dim3A_23 : f32 to vector<16xf32>
    %broadcast_in_dim3A_25 = arith.constant 0xFF800000 : f32
    %broadcast_in_dim3A_26 = vector.broadcast %broadcast_in_dim3A_25 : f32 to vector<16xf32>
    %broadcast_in_dim3A_27 = arith.constant 0xFF800000 : f32
    %broadcast_in_dim3A_28 = vector.broadcast %broadcast_in_dim3A_27 : f32 to vector<16xf32>
    %broadcast_in_dim3A_29 = arith.constant 0xFF800000 : f32
    %broadcast_in_dim3A_30 = vector.broadcast %broadcast_in_dim3A_29 : f32 to vector<16xf32>
    %broadcast_in_dim3A_31 = arith.constant 0xFF800000 : f32
    %broadcast_in_dim3A_32 = vector.broadcast %broadcast_in_dim3A_31 : f32 to vector<16xf32>
    %broadcast_in_dim3A_33 = arith.constant 0 : i32
    %broadcast_in_dim3A_34 = vector.broadcast %broadcast_in_dim3A_33 : i32 to vector<16xi32>
    %broadcast_in_dim3A_35 = arith.constant 0 : i32
    %broadcast_in_dim3A_36 = vector.broadcast %broadcast_in_dim3A_35 : i32 to vector<16xi32>
    %broadcast_in_dim3A_37 = arith.constant 0 : i32
    %broadcast_in_dim3A_38 = vector.broadcast %broadcast_in_dim3A_37 : i32 to vector<16xi32>
    %broadcast_in_dim3A_39 = arith.constant 0 : i32
    %broadcast_in_dim3A_40 = vector.broadcast %broadcast_in_dim3A_39 : i32 to vector<16xi32>
    %broadcast_in_dim3A_41 = arith.constant 0 : i32
    %broadcast_in_dim3A_42 = vector.broadcast %broadcast_in_dim3A_41 : i32 to vector<16xi32>
    %broadcast_in_dim3A_43 = arith.constant 0 : i32
    %broadcast_in_dim3A_44 = vector.broadcast %broadcast_in_dim3A_43 : i32 to vector<16xi32>
    %broadcast_in_dim3A_45 = arith.constant 0 : i32
    %broadcast_in_dim3A_46 = vector.broadcast %broadcast_in_dim3A_45 : i32 to vector<16xi32>
    %broadcast_in_dim3A_47 = arith.constant 0 : i32
    %broadcast_in_dim3A_48 = vector.broadcast %broadcast_in_dim3A_47 : i32 to vector<16xi32>
    %scan3A = arith.constant 0 : i32
    %scan3A_49 = arith.constant 4 : i32
    %scan3A_50 = arith.addi %scan3A, %scan3A_49 : i32
    %scan3A_51 = arith.constant 1 : i32
    %scan3A_52:16 = scf.for %scan3A_119 = %scan3A to %scan3A_50 step %scan3A_51 iter_args(%scan3A_120 = %broadcast_in_dim3A_18, %scan3A_121 = %broadcast_in_dim3A_20, %scan3A_122 = %broadcast_in_dim3A_22, %scan3A_123 = %broadcast_in_dim3A_24, %scan3A_124 = %broadcast_in_dim3A_26, %scan3A_125 = %broadcast_in_dim3A_28, %scan3A_126 = %broadcast_in_dim3A_30, %scan3A_127 = %broadcast_in_dim3A_32, %scan3A_128 = %broadcast_in_dim3A_34, %scan3A_129 = %broadcast_in_dim3A_36, %scan3A_130 = %broadcast_in_dim3A_38, %scan3A_131 = %broadcast_in_dim3A_40, %scan3A_132 = %broadcast_in_dim3A_42, %scan3A_133 = %broadcast_in_dim3A_44, %scan3A_134 = %broadcast_in_dim3A_46, %scan3A_135 = %broadcast_in_dim3A_48) -> (vector<16xf32>, vector<16xf32>, vector<16xf32>, vector<16xf32>, vector<16xf32>, vector<16xf32>, vector<16xf32>, vector<16xf32>, vector<16xi32>, vector<16xi32>, vector<16xi32>, vector<16xi32>, vector<16xi32>, vector<16xi32>, vector<16xi32>, vector<16xi32>)  : i32 {
      %mul3A_136 = arith.constant 2 : i32
      %mul3A_137 = arith.muli %scan3A_119, %mul3A_136 : i32
      %add3A_138 = arith.constant 0 : i32
      %add3A_139 = arith.addi %mul3A_137, %add3A_138 : i32
      %multiple_of3A_140 = tpu.assume_multiple %mul3A_2, 8 : i32
      %dma_wait3A = arith.constant 0 : i32
      %dma_wait3A_141 = tpu.memref_slice %arg2[%multiple_of3A_140, %dma_wait3A] : memref<100000x128xf32, #tpu.memory_space<hbm>> -> memref<392x128xf32, #tpu.memory_space<hbm>>
      %dma_wait3A_142 = arith.constant 0 : i32
      %dma_wait3A_143 = tpu.memref_slice %arg2[%multiple_of3A_140, %dma_wait3A_142] : memref<100000x128xf32, #tpu.memory_space<hbm>> -> memref<392x128xf32, #tpu.memory_space<hbm>>
      tpu.wait_dma2 semaphore(%arg13 : memref<!tpu.dma_semaphore, #tpu.memory_space<semaphore_mem>>) src(%dma_wait3A_143 : memref<392x128xf32, #tpu.memory_space<hbm>>) dst(%arg5 : memref<392x128xf32, #tpu.memory_space<vmem>>)
      %mul3A_144 = arith.constant 392 : i32
      %mul3A_145 = arith.muli %add3A_139, %mul3A_144 : i32
      %add3A_146 = arith.addi %mul3A_2, %mul3A_145 : i32
      %min3A_147 = arith.constant 99608 : i32
      %min3A_148 = arith.minsi %add3A_146, %min3A_147 : i32
      %multiple_of3A_149 = tpu.assume_multiple %min3A_148, 8 : i32
      %scan3A_150 = arith.constant 0 : i32
      %scan3A_151 = arith.constant 392 : i32
      %scan3A_152 = arith.addi %scan3A_150, %scan3A_151 : i32
      %scan3A_153 = arith.constant 2 : i32
      %scan3A_154:16 = scf.for %scan3A_190 = %scan3A_150 to %scan3A_152 step %scan3A_153 iter_args(%scan3A_191 = %scan3A_120, %scan3A_192 = %scan3A_121, %scan3A_193 = %scan3A_122, %scan3A_194 = %scan3A_123, %scan3A_195 = %scan3A_124, %scan3A_196 = %scan3A_125, %scan3A_197 = %scan3A_126, %scan3A_198 = %scan3A_127, %scan3A_199 = %scan3A_128, %scan3A_200 = %scan3A_129, %scan3A_201 = %scan3A_130, %scan3A_202 = %scan3A_131, %scan3A_203 = %scan3A_132, %scan3A_204 = %scan3A_133, %scan3A_205 = %scan3A_134, %scan3A_206 = %scan3A_135) -> (vector<16xf32>, vector<16xf32>, vector<16xf32>, vector<16xf32>, vector<16xf32>, vector<16xf32>, vector<16xf32>, vector<16xf32>, vector<16xi32>, vector<16xi32>, vector<16xi32>, vector<16xi32>, vector<16xi32>, vector<16xi32>, vector<16xi32>, vector<16xi32>)  : i32 {
        %add3A_207 = arith.addi %multiple_of3A_149, %scan3A_190 : i32
        %broadcast_in_dim3A_208 = vector.broadcast %add3A_207 : i32 to vector<16xi32>
        %get3A = arith.index_cast %scan3A_190 : i32 to index
        %get3A_209 = arith.constant 0 : index
        %get3A_210 = tpu.vector_load %arg5[%get3A, %get3A_209] {strides = array<i32>} : memref<392x128xf32, #tpu.memory_space<vmem>>, vector<1x16xf32>,
        %get3A_211 = vector.shape_cast %get3A_210 : vector<1x16xf32> to vector<16xf32>
        %gt3A = arith.cmpf ogt, %get3A_211, %scan3A_191 : vector<16xf32>
        %select_n3A = arith.select %gt3A, %broadcast_in_dim3A_208, %scan3A_199 : vector<16xi1>, vector<16xi32>
        %max3A = arith.maximumf %scan3A_191, %get3A_211 : vector<16xf32>
        %get3A_212 = arith.index_cast %scan3A_190 : i32 to index
        %get3A_213 = arith.constant 16 : index
        %get3A_214 = tpu.vector_load %arg5[%get3A_212, %get3A_213] {strides = array<i32>} : memref<392x128xf32, #tpu.memory_space<vmem>>, vector<1x16xf32>,
        %get3A_215 = vector.shape_cast %get3A_214 : vector<1x16xf32> to vector<16xf32>
        %gt3A_216 = arith.cmpf ogt, %get3A_215, %scan3A_192 : vector<16xf32>
        %select_n3A_217 = arith.select %gt3A_216, %broadcast_in_dim3A_208, %scan3A_200 : vector<16xi1>, vector<16xi32>
        %max3A_218 = arith.maximumf %scan3A_192, %get3A_215 : vector<16xf32>
        %get3A_219 = arith.index_cast %scan3A_190 : i32 to index
        %get3A_220 = arith.constant 32 : index
        %get3A_221 = tpu.vector_load %arg5[%get3A_219, %get3A_220] {strides = array<i32>} : memref<392x128xf32, #tpu.memory_space<vmem>>, vector<1x16xf32>,
        %get3A_222 = vector.shape_cast %get3A_221 : vector<1x16xf32> to vector<16xf32>
        %gt3A_223 = arith.cmpf ogt, %get3A_222, %scan3A_193 : vector<16xf32>
        %select_n3A_224 = arith.select %gt3A_223, %broadcast_in_dim3A_208, %scan3A_201 : vector<16xi1>, vector<16xi32>
        %max3A_225 = arith.maximumf %scan3A_193, %get3A_222 : vector<16xf32>
        %get3A_226 = arith.index_cast %scan3A_190 : i32 to index
        %get3A_227 = arith.constant 48 : index
        %get3A_228 = tpu.vector_load %arg5[%get3A_226, %get3A_227] {strides = array<i32>} : memref<392x128xf32, #tpu.memory_space<vmem>>, vector<1x16xf32>,
        %get3A_229 = vector.shape_cast %get3A_228 : vector<1x16xf32> to vector<16xf32>
        %gt3A_230 = arith.cmpf ogt, %get3A_229, %scan3A_194 : vector<16xf32>
        %select_n3A_231 = arith.select %gt3A_230, %broadcast_in_dim3A_208, %scan3A_202 : vector<16xi1>, vector<16xi32>
        %max3A_232 = arith.maximumf %scan3A_194, %get3A_229 : vector<16xf32>
        %get3A_233 = arith.index_cast %scan3A_190 : i32 to index
        %get3A_234 = arith.constant 64 : index
        %get3A_235 = tpu.vector_load %arg5[%get3A_233, %get3A_234] {strides = array<i32>} : memref<392x128xf32, #tpu.memory_space<vmem>>, vector<1x16xf32>,
        %get3A_236 = vector.shape_cast %get3A_235 : vector<1x16xf32> to vector<16xf32>
        %gt3A_237 = arith.cmpf ogt, %get3A_236, %scan3A_195 : vector<16xf32>
        %select_n3A_238 = arith.select %gt3A_237, %broadcast_in_dim3A_208, %scan3A_203 : vector<16xi1>, vector<16xi32>
        %max3A_239 = arith.maximumf %scan3A_195, %get3A_236 : vector<16xf32>
        %get3A_240 = arith.index_cast %scan3A_190 : i32 to index
        %get3A_241 = arith.constant 80 : index
        %get3A_242 = tpu.vector_load %arg5[%get3A_240, %get3A_241] {strides = array<i32>} : memref<392x128xf32, #tpu.memory_space<vmem>>, vector<1x16xf32>,
        %get3A_243 = vector.shape_cast %get3A_242 : vector<1x16xf32> to vector<16xf32>
        %gt3A_244 = arith.cmpf ogt, %get3A_243, %scan3A_196 : vector<16xf32>
        %select_n3A_245 = arith.select %gt3A_244, %broadcast_in_dim3A_208, %scan3A_204 : vector<16xi1>, vector<16xi32>
        %max3A_246 = arith.maximumf %scan3A_196, %get3A_243 : vector<16xf32>
        %get3A_247 = arith.index_cast %scan3A_190 : i32 to index
        %get3A_248 = arith.constant 96 : index
        %get3A_249 = tpu.vector_load %arg5[%get3A_247, %get3A_248] {strides = array<i32>} : memref<392x128xf32, #tpu.memory_space<vmem>>, vector<1x16xf32>,
        %get3A_250 = vector.shape_cast %get3A_249 : vector<1x16xf32> to vector<16xf32>
        %gt3A_251 = arith.cmpf ogt, %get3A_250, %scan3A_197 : vector<16xf32>
        %select_n3A_252 = arith.select %gt3A_251, %broadcast_in_dim3A_208, %scan3A_205 : vector<16xi1>, vector<16xi32>
        %max3A_253 = arith.maximumf %scan3A_197, %get3A_250 : vector<16xf32>
        %get3A_254 = arith.index_cast %scan3A_190 : i32 to index
        %get3A_255 = arith.constant 112 : index
        %get3A_256 = tpu.vector_load %arg5[%get3A_254, %get3A_255] {strides = array<i32>} : memref<392x128xf32, #tpu.memory_space<vmem>>, vector<1x16xf32>,
        %get3A_257 = vector.shape_cast %get3A_256 : vector<1x16xf32> to vector<16xf32>
        %gt3A_258 = arith.cmpf ogt, %get3A_257, %scan3A_198 : vector<16xf32>
        %select_n3A_259 = arith.select %gt3A_258, %broadcast_in_dim3A_208, %scan3A_206 : vector<16xi1>, vector<16xi32>
        %max3A_260 = arith.maximumf %scan3A_198, %get3A_257 : vector<16xf32>
        %scan3A_261 = arith.constant 1 : i32
        %scan3A_262 = arith.addi %scan3A_190, %scan3A_261 : i32
        %add3A_263 = arith.addi %multiple_of3A_149, %scan3A_262 : i32
        %broadcast_in_dim3A_264 = vector.broadcast %add3A_263 : i32 to vector<16xi32>
        %get3A_265 = arith.index_cast %scan3A_262 : i32 to index
        %get3A_266 = arith.constant 0 : index
        %get3A_267 = tpu.vector_load %arg5[%get3A_265, %get3A_266] {strides = array<i32>} : memref<392x128xf32, #tpu.memory_space<vmem>>, vector<1x16xf32>,
        %get3A_268 = vector.shape_cast %get3A_267 : vector<1x16xf32> to vector<16xf32>
        %gt3A_269 = arith.cmpf ogt, %get3A_268, %max3A : vector<16xf32>
        %select_n3A_270 = arith.select %gt3A_269, %broadcast_in_dim3A_264, %select_n3A : vector<16xi1>, vector<16xi32>
        %max3A_271 = arith.maximumf %max3A, %get3A_268 : vector<16xf32>
        %get3A_272 = arith.index_cast %scan3A_262 : i32 to index
        %get3A_273 = arith.constant 16 : index
        %get3A_274 = tpu.vector_load %arg5[%get3A_272, %get3A_273] {strides = array<i32>} : memref<392x128xf32, #tpu.memory_space<vmem>>, vector<1x16xf32>,
        %get3A_275 = vector.shape_cast %get3A_274 : vector<1x16xf32> to vector<16xf32>
        %gt3A_276 = arith.cmpf ogt, %get3A_275, %max3A_218 : vector<16xf32>
        %select_n3A_277 = arith.select %gt3A_276, %broadcast_in_dim3A_264, %select_n3A_217 : vector<16xi1>, vector<16xi32>
        %max3A_278 = arith.maximumf %max3A_218, %get3A_275 : vector<16xf32>
        %get3A_279 = arith.index_cast %scan3A_262 : i32 to index
        %get3A_280 = arith.constant 32 : index
        %get3A_281 = tpu.vector_load %arg5[%get3A_279, %get3A_280] {strides = array<i32>} : memref<392x128xf32, #tpu.memory_space<vmem>>, vector<1x16xf32>,
        %get3A_282 = vector.shape_cast %get3A_281 : vector<1x16xf32> to vector<16xf32>
        %gt3A_283 = arith.cmpf ogt, %get3A_282, %max3A_225 : vector<16xf32>
        %select_n3A_284 = arith.select %gt3A_283, %broadcast_in_dim3A_264, %select_n3A_224 : vector<16xi1>, vector<16xi32>
        %max3A_285 = arith.maximumf %max3A_225, %get3A_282 : vector<16xf32>
        %get3A_286 = arith.index_cast %scan3A_262 : i32 to index
        %get3A_287 = arith.constant 48 : index
        %get3A_288 = tpu.vector_load %arg5[%get3A_286, %get3A_287] {strides = array<i32>} : memref<392x128xf32, #tpu.memory_space<vmem>>, vector<1x16xf32>,
        %get3A_289 = vector.shape_cast %get3A_288 : vector<1x16xf32> to vector<16xf32>
        %gt3A_290 = arith.cmpf ogt, %get3A_289, %max3A_232 : vector<16xf32>
        %select_n3A_291 = arith.select %gt3A_290, %broadcast_in_dim3A_264, %select_n3A_231 : vector<16xi1>, vector<16xi32>
        %max3A_292 = arith.maximumf %max3A_232, %get3A_289 : vector<16xf32>
        %get3A_293 = arith.index_cast %scan3A_262 : i32 to index
        %get3A_294 = arith.constant 64 : index
        %get3A_295 = tpu.vector_load %arg5[%get3A_293, %get3A_294] {strides = array<i32>} : memref<392x128xf32, #tpu.memory_space<vmem>>, vector<1x16xf32>,
        %get3A_296 = vector.shape_cast %get3A_295 : vector<1x16xf32> to vector<16xf32>
        %gt3A_297 = arith.cmpf ogt, %get3A_296, %max3A_239 : vector<16xf32>
        %select_n3A_298 = arith.select %gt3A_297, %broadcast_in_dim3A_264, %select_n3A_238 : vector<16xi1>, vector<16xi32>
        %max3A_299 = arith.maximumf %max3A_239, %get3A_296 : vector<16xf32>
        %get3A_300 = arith.index_cast %scan3A_262 : i32 to index
        %get3A_301 = arith.constant 80 : index
        %get3A_302 = tpu.vector_load %arg5[%get3A_300, %get3A_301] {strides = array<i32>} : memref<392x128xf32, #tpu.memory_space<vmem>>, vector<1x16xf32>,
        %get3A_303 = vector.shape_cast %get3A_302 : vector<1x16xf32> to vector<16xf32>
        %gt3A_304 = arith.cmpf ogt, %get3A_303, %max3A_246 : vector<16xf32>
        %select_n3A_305 = arith.select %gt3A_304, %broadcast_in_dim3A_264, %select_n3A_245 : vector<16xi1>, vector<16xi32>
        %max3A_306 = arith.maximumf %max3A_246, %get3A_303 : vector<16xf32>
        %get3A_307 = arith.index_cast %scan3A_262 : i32 to index
        %get3A_308 = arith.constant 96 : index
        %get3A_309 = tpu.vector_load %arg5[%get3A_307, %get3A_308] {strides = array<i32>} : memref<392x128xf32, #tpu.memory_space<vmem>>, vector<1x16xf32>,
        %get3A_310 = vector.shape_cast %get3A_309 : vector<1x16xf32> to vector<16xf32>
        %gt3A_311 = arith.cmpf ogt, %get3A_310, %max3A_253 : vector<16xf32>
        %select_n3A_312 = arith.select %gt3A_311, %broadcast_in_dim3A_264, %select_n3A_252 : vector<16xi1>, vector<16xi32>
        %max3A_313 = arith.maximumf %max3A_253, %get3A_310 : vector<16xf32>
        %get3A_314 = arith.index_cast %scan3A_262 : i32 to index
        %get3A_315 = arith.constant 112 : index
        %get3A_316 = tpu.vector_load %arg5[%get3A_314, %get3A_315] {strides = array<i32>} : memref<392x128xf32, #tpu.memory_space<vmem>>, vector<1x16xf32>,
        %get3A_317 = vector.shape_cast %get3A_316 : vector<1x16xf32> to vector<16xf32>
        %gt3A_318 = arith.cmpf ogt, %get3A_317, %max3A_260 : vector<16xf32>
        %select_n3A_319 = arith.select %gt3A_318, %broadcast_in_dim3A_264, %select_n3A_259 : vector<16xi1>, vector<16xi32>
        %max3A_320 = arith.maximumf %max3A_260, %get3A_317 : vector<16xf32>
        scf.yield %max3A_271, %max3A_278, %max3A_285, %max3A_292, %max3A_299, %max3A_306, %max3A_313, %max3A_320, %select_n3A_270, %select_n3A_277, %select_n3A_284, %select_n3A_291, %select_n3A_298, %select_n3A_305, %select_n3A_312, %select_n3A_319 : vector<16xf32>, vector<16xf32>, vector<16xf32>, vector<16xf32>, vector<16xf32>, vector<16xf32>, vector<16xf32>, vector<16xf32>, vector<16xi32>, vector<16xi32>, vector<16xi32>, vector<16xi32>, vector<16xi32>, vector<16xi32>, vector<16xi32>, vector<16xi32>
      }
      %scan3A_155 = arith.constant 392 : i32
      %add3A_156 = arith.constant 2 : i32
      %add3A_157 = arith.addi %add3A_139, %add3A_156 : i32
      %lt3A = arith.constant 8 : i32
      %lt3A_158 = arith.cmpi slt, %add3A_157, %lt3A : i32
      %convert_element_type3A_159 = arith.extui %lt3A_158 : i1 to i32
      %cond3A_160 = arith.constant 0 : i32
      %cond3A_161 = arith.cmpi ne, %convert_element_type3A_159, %cond3A_160 : i32
      scf.if %cond3A_161 {
        %add3A_190 = arith.constant 2 : i32
        %add3A_191 = arith.addi %add3A_139, %add3A_190 : i32
        %mul3A_192 = arith.constant 392 : i32
        %mul3A_193 = arith.muli %add3A_191, %mul3A_192 : i32
        %add3A_194 = arith.addi %mul3A_2, %mul3A_193 : i32
        %min3A_195 = arith.constant 99608 : i32
        %min3A_196 = arith.minsi %add3A_194, %min3A_195 : i32
        %multiple_of3A_197 = tpu.assume_multiple %min3A_196, 8 : i32
        %dma_start3A_198 = arith.constant 0 : i32
        %dma_start3A_199 = tpu.memref_slice %arg2[%multiple_of3A_197, %dma_start3A_198] : memref<100000x128xf32, #tpu.memory_space<hbm>> -> memref<392x128xf32, #tpu.memory_space<hbm>>
        %dma_start3A_200 = arith.constant 0 : i32
        %dma_start3A_201 = tpu.memref_slice %arg2[%multiple_of3A_197, %dma_start3A_200] : memref<100000x128xf32, #tpu.memory_space<hbm>> -> memref<392x128xf32, #tpu.memory_space<hbm>>
        tpu.enqueue_dma source(%dma_start3A_201 : memref<392x128xf32, #tpu.memory_space<hbm>>) target(%arg5 : memref<392x128xf32, #tpu.memory_space<vmem>>) target_semaphore(%arg13 : memref<!tpu.dma_semaphore, #tpu.memory_space<semaphore_mem>>)
      } else {
      }
      %mul3A_162 = arith.constant 2 : i32
      %mul3A_163 = arith.muli %scan3A_119, %mul3A_162 : i32
      %add3A_164 = arith.constant 1 : i32
      %add3A_165 = arith.addi %mul3A_163, %add3A_164 : i32
      %multiple_of3A_166 = tpu.assume_multiple %mul3A_2, 8 : i32
      %dma_wait3A_167 = arith.constant 0 : i32
      %dma_wait3A_168 = tpu.memref_slice %arg2[%multiple_of3A_166, %dma_wait3A_167] : memref<100000x128xf32, #tpu.memory_space<hbm>> -> memref<392x128xf32, #tpu.memory_space<hbm>>
      %dma_wait3A_169 = arith.constant 0 : i32
      %dma_wait3A_170 = tpu.memref_slice %arg2[%multiple_of3A_166, %dma_wait3A_169] : memref<100000x128xf32, #tpu.memory_space<hbm>> -> memref<392x128xf32, #tpu.memory_space<hbm>>
      tpu.wait_dma2 semaphore(%arg14 : memref<!tpu.dma_semaphore, #tpu.memory_space<semaphore_mem>>) src(%dma_wait3A_170 : memref<392x128xf32, #tpu.memory_space<hbm>>) dst(%arg6 : memref<392x128xf32, #tpu.memory_space<vmem>>)
      %mul3A_171 = arith.constant 392 : i32
      %mul3A_172 = arith.muli %add3A_165, %mul3A_171 : i32
      %add3A_173 = arith.addi %mul3A_2, %mul3A_172 : i32
      %min3A_174 = arith.constant 99608 : i32
      %min3A_175 = arith.minsi %add3A_173, %min3A_174 : i32
      %multiple_of3A_176 = tpu.assume_multiple %min3A_175, 8 : i32
      %scan3A_177 = arith.constant 0 : i32
      %scan3A_178 = arith.constant 392 : i32
      %scan3A_179 = arith.addi %scan3A_177, %scan3A_178 : i32
      %scan3A_180 = arith.constant 2 : i32
      %scan3A_181:16 = scf.for %scan3A_190 = %scan3A_177 to %scan3A_179 step %scan3A_180 iter_args(%scan3A_191 = %scan3A_154#0, %scan3A_192 = %scan3A_154#1, %scan3A_193 = %scan3A_154#2, %scan3A_194 = %scan3A_154#3, %scan3A_195 = %scan3A_154#4, %scan3A_196 = %scan3A_154#5, %scan3A_197 = %scan3A_154#6, %scan3A_198 = %scan3A_154#7, %scan3A_199 = %scan3A_154#8, %scan3A_200 = %scan3A_154#9, %scan3A_201 = %scan3A_154#10, %scan3A_202 = %scan3A_154#11, %scan3A_203 = %scan3A_154#12, %scan3A_204 = %scan3A_154#13, %scan3A_205 = %scan3A_154#14, %scan3A_206 = %scan3A_154#15) -> (vector<16xf32>, vector<16xf32>, vector<16xf32>, vector<16xf32>, vector<16xf32>, vector<16xf32>, vector<16xf32>, vector<16xf32>, vector<16xi32>, vector<16xi32>, vector<16xi32>, vector<16xi32>, vector<16xi32>, vector<16xi32>, vector<16xi32>, vector<16xi32>)  : i32 {
        %add3A_207 = arith.addi %multiple_of3A_176, %scan3A_190 : i32
        %broadcast_in_dim3A_208 = vector.broadcast %add3A_207 : i32 to vector<16xi32>
        %get3A = arith.index_cast %scan3A_190 : i32 to index
        %get3A_209 = arith.constant 0 : index
        %get3A_210 = tpu.vector_load %arg6[%get3A, %get3A_209] {strides = array<i32>} : memref<392x128xf32, #tpu.memory_space<vmem>>, vector<1x16xf32>,
        %get3A_211 = vector.shape_cast %get3A_210 : vector<1x16xf32> to vector<16xf32>
        %gt3A = arith.cmpf ogt, %get3A_211, %scan3A_191 : vector<16xf32>
        %select_n3A = arith.select %gt3A, %broadcast_in_dim3A_208, %scan3A_199 : vector<16xi1>, vector<16xi32>
        %max3A = arith.maximumf %scan3A_191, %get3A_211 : vector<16xf32>
        %get3A_212 = arith.index_cast %scan3A_190 : i32 to index
        %get3A_213 = arith.constant 16 : index
        %get3A_214 = tpu.vector_load %arg6[%get3A_212, %get3A_213] {strides = array<i32>} : memref<392x128xf32, #tpu.memory_space<vmem>>, vector<1x16xf32>,
        %get3A_215 = vector.shape_cast %get3A_214 : vector<1x16xf32> to vector<16xf32>
        %gt3A_216 = arith.cmpf ogt, %get3A_215, %scan3A_192 : vector<16xf32>
        %select_n3A_217 = arith.select %gt3A_216, %broadcast_in_dim3A_208, %scan3A_200 : vector<16xi1>, vector<16xi32>
        %max3A_218 = arith.maximumf %scan3A_192, %get3A_215 : vector<16xf32>
        %get3A_219 = arith.index_cast %scan3A_190 : i32 to index
        %get3A_220 = arith.constant 32 : index
        %get3A_221 = tpu.vector_load %arg6[%get3A_219, %get3A_220] {strides = array<i32>} : memref<392x128xf32, #tpu.memory_space<vmem>>, vector<1x16xf32>,
        %get3A_222 = vector.shape_cast %get3A_221 : vector<1x16xf32> to vector<16xf32>
        %gt3A_223 = arith.cmpf ogt, %get3A_222, %scan3A_193 : vector<16xf32>
        %select_n3A_224 = arith.select %gt3A_223, %broadcast_in_dim3A_208, %scan3A_201 : vector<16xi1>, vector<16xi32>
        %max3A_225 = arith.maximumf %scan3A_193, %get3A_222 : vector<16xf32>
        %get3A_226 = arith.index_cast %scan3A_190 : i32 to index
        %get3A_227 = arith.constant 48 : index
        %get3A_228 = tpu.vector_load %arg6[%get3A_226, %get3A_227] {strides = array<i32>} : memref<392x128xf32, #tpu.memory_space<vmem>>, vector<1x16xf32>,
        %get3A_229 = vector.shape_cast %get3A_228 : vector<1x16xf32> to vector<16xf32>
        %gt3A_230 = arith.cmpf ogt, %get3A_229, %scan3A_194 : vector<16xf32>
        %select_n3A_231 = arith.select %gt3A_230, %broadcast_in_dim3A_208, %scan3A_202 : vector<16xi1>, vector<16xi32>
        %max3A_232 = arith.maximumf %scan3A_194, %get3A_229 : vector<16xf32>
        %get3A_233 = arith.index_cast %scan3A_190 : i32 to index
        %get3A_234 = arith.constant 64 : index
        %get3A_235 = tpu.vector_load %arg6[%get3A_233, %get3A_234] {strides = array<i32>} : memref<392x128xf32, #tpu.memory_space<vmem>>, vector<1x16xf32>,
        %get3A_236 = vector.shape_cast %get3A_235 : vector<1x16xf32> to vector<16xf32>
        %gt3A_237 = arith.cmpf ogt, %get3A_236, %scan3A_195 : vector<16xf32>
        %select_n3A_238 = arith.select %gt3A_237, %broadcast_in_dim3A_208, %scan3A_203 : vector<16xi1>, vector<16xi32>
        %max3A_239 = arith.maximumf %scan3A_195, %get3A_236 : vector<16xf32>
        %get3A_240 = arith.index_cast %scan3A_190 : i32 to index
        %get3A_241 = arith.constant 80 : index
        %get3A_242 = tpu.vector_load %arg6[%get3A_240, %get3A_241] {strides = array<i32>} : memref<392x128xf32, #tpu.memory_space<vmem>>, vector<1x16xf32>,
        %get3A_243 = vector.shape_cast %get3A_242 : vector<1x16xf32> to vector<16xf32>
        %gt3A_244 = arith.cmpf ogt, %get3A_243, %scan3A_196 : vector<16xf32>
        %select_n3A_245 = arith.select %gt3A_244, %broadcast_in_dim3A_208, %scan3A_204 : vector<16xi1>, vector<16xi32>
        %max3A_246 = arith.maximumf %scan3A_196, %get3A_243 : vector<16xf32>
        %get3A_247 = arith.index_cast %scan3A_190 : i32 to index
        %get3A_248 = arith.constant 96 : index
        %get3A_249 = tpu.vector_load %arg6[%get3A_247, %get3A_248] {strides = array<i32>} : memref<392x128xf32, #tpu.memory_space<vmem>>, vector<1x16xf32>,
        %get3A_250 = vector.shape_cast %get3A_249 : vector<1x16xf32> to vector<16xf32>
        %gt3A_251 = arith.cmpf ogt, %get3A_250, %scan3A_197 : vector<16xf32>
        %select_n3A_252 = arith.select %gt3A_251, %broadcast_in_dim3A_208, %scan3A_205 : vector<16xi1>, vector<16xi32>
        %max3A_253 = arith.maximumf %scan3A_197, %get3A_250 : vector<16xf32>
        %get3A_254 = arith.index_cast %scan3A_190 : i32 to index
        %get3A_255 = arith.constant 112 : index
        %get3A_256 = tpu.vector_load %arg6[%get3A_254, %get3A_255] {strides = array<i32>} : memref<392x128xf32, #tpu.memory_space<vmem>>, vector<1x16xf32>,
        %get3A_257 = vector.shape_cast %get3A_256 : vector<1x16xf32> to vector<16xf32>
        %gt3A_258 = arith.cmpf ogt, %get3A_257, %scan3A_198 : vector<16xf32>
        %select_n3A_259 = arith.select %gt3A_258, %broadcast_in_dim3A_208, %scan3A_206 : vector<16xi1>, vector<16xi32>
        %max3A_260 = arith.maximumf %scan3A_198, %get3A_257 : vector<16xf32>
        %scan3A_261 = arith.constant 1 : i32
        %scan3A_262 = arith.addi %scan3A_190, %scan3A_261 : i32
        %add3A_263 = arith.addi %multiple_of3A_176, %scan3A_262 : i32
        %broadcast_in_dim3A_264 = vector.broadcast %add3A_263 : i32 to vector<16xi32>
        %get3A_265 = arith.index_cast %scan3A_262 : i32 to index
        %get3A_266 = arith.constant 0 : index
        %get3A_267 = tpu.vector_load %arg6[%get3A_265, %get3A_266] {strides = array<i32>} : memref<392x128xf32, #tpu.memory_space<vmem>>, vector<1x16xf32>,
        %get3A_268 = vector.shape_cast %get3A_267 : vector<1x16xf32> to vector<16xf32>
        %gt3A_269 = arith.cmpf ogt, %get3A_268, %max3A : vector<16xf32>
        %select_n3A_270 = arith.select %gt3A_269, %broadcast_in_dim3A_264, %select_n3A : vector<16xi1>, vector<16xi32>
        %max3A_271 = arith.maximumf %max3A, %get3A_268 : vector<16xf32>
        %get3A_272 = arith.index_cast %scan3A_262 : i32 to index
        %get3A_273 = arith.constant 16 : index
        %get3A_274 = tpu.vector_load %arg6[%get3A_272, %get3A_273] {strides = array<i32>} : memref<392x128xf32, #tpu.memory_space<vmem>>, vector<1x16xf32>,
        %get3A_275 = vector.shape_cast %get3A_274 : vector<1x16xf32> to vector<16xf32>
        %gt3A_276 = arith.cmpf ogt, %get3A_275, %max3A_218 : vector<16xf32>
        %select_n3A_277 = arith.select %gt3A_276, %broadcast_in_dim3A_264, %select_n3A_217 : vector<16xi1>, vector<16xi32>
        %max3A_278 = arith.maximumf %max3A_218, %get3A_275 : vector<16xf32>
        %get3A_279 = arith.index_cast %scan3A_262 : i32 to index
        %get3A_280 = arith.constant 32 : index
        %get3A_281 = tpu.vector_load %arg6[%get3A_279, %get3A_280] {strides = array<i32>} : memref<392x128xf32, #tpu.memory_space<vmem>>, vector<1x16xf32>,
        %get3A_282 = vector.shape_cast %get3A_281 : vector<1x16xf32> to vector<16xf32>
        %gt3A_283 = arith.cmpf ogt, %get3A_282, %max3A_225 : vector<16xf32>
        %select_n3A_284 = arith.select %gt3A_283, %broadcast_in_dim3A_264, %select_n3A_224 : vector<16xi1>, vector<16xi32>
        %max3A_285 = arith.maximumf %max3A_225, %get3A_282 : vector<16xf32>
        %get3A_286 = arith.index_cast %scan3A_262 : i32 to index
        %get3A_287 = arith.constant 48 : index
        %get3A_288 = tpu.vector_load %arg6[%get3A_286, %get3A_287] {strides = array<i32>} : memref<392x128xf32, #tpu.memory_space<vmem>>, vector<1x16xf32>,
        %get3A_289 = vector.shape_cast %get3A_288 : vector<1x16xf32> to vector<16xf32>
        %gt3A_290 = arith.cmpf ogt, %get3A_289, %max3A_232 : vector<16xf32>
        %select_n3A_291 = arith.select %gt3A_290, %broadcast_in_dim3A_264, %select_n3A_231 : vector<16xi1>, vector<16xi32>
        %max3A_292 = arith.maximumf %max3A_232, %get3A_289 : vector<16xf32>
        %get3A_293 = arith.index_cast %scan3A_262 : i32 to index
        %get3A_294 = arith.constant 64 : index
        %get3A_295 = tpu.vector_load %arg6[%get3A_293, %get3A_294] {strides = array<i32>} : memref<392x128xf32, #tpu.memory_space<vmem>>, vector<1x16xf32>,
        %get3A_296 = vector.shape_cast %get3A_295 : vector<1x16xf32> to vector<16xf32>
        %gt3A_297 = arith.cmpf ogt, %get3A_296, %max3A_239 : vector<16xf32>
        %select_n3A_298 = arith.select %gt3A_297, %broadcast_in_dim3A_264, %select_n3A_238 : vector<16xi1>, vector<16xi32>
        %max3A_299 = arith.maximumf %max3A_239, %get3A_296 : vector<16xf32>
        %get3A_300 = arith.index_cast %scan3A_262 : i32 to index
        %get3A_301 = arith.constant 80 : index
        %get3A_302 = tpu.vector_load %arg6[%get3A_300, %get3A_301] {strides = array<i32>} : memref<392x128xf32, #tpu.memory_space<vmem>>, vector<1x16xf32>,
        %get3A_303 = vector.shape_cast %get3A_302 : vector<1x16xf32> to vector<16xf32>
        %gt3A_304 = arith.cmpf ogt, %get3A_303, %max3A_246 : vector<16xf32>
        %select_n3A_305 = arith.select %gt3A_304, %broadcast_in_dim3A_264, %select_n3A_245 : vector<16xi1>, vector<16xi32>
        %max3A_306 = arith.maximumf %max3A_246, %get3A_303 : vector<16xf32>
        %get3A_307 = arith.index_cast %scan3A_262 : i32 to index
        %get3A_308 = arith.constant 96 : index
        %get3A_309 = tpu.vector_load %arg6[%get3A_307, %get3A_308] {strides = array<i32>} : memref<392x128xf32, #tpu.memory_space<vmem>>, vector<1x16xf32>,
        %get3A_310 = vector.shape_cast %get3A_309 : vector<1x16xf32> to vector<16xf32>
        %gt3A_311 = arith.cmpf ogt, %get3A_310, %max3A_253 : vector<16xf32>
        %select_n3A_312 = arith.select %gt3A_311, %broadcast_in_dim3A_264, %select_n3A_252 : vector<16xi1>, vector<16xi32>
        %max3A_313 = arith.maximumf %max3A_253, %get3A_310 : vector<16xf32>
        %get3A_314 = arith.index_cast %scan3A_262 : i32 to index
        %get3A_315 = arith.constant 112 : index
        %get3A_316 = tpu.vector_load %arg6[%get3A_314, %get3A_315] {strides = array<i32>} : memref<392x128xf32, #tpu.memory_space<vmem>>, vector<1x16xf32>,
        %get3A_317 = vector.shape_cast %get3A_316 : vector<1x16xf32> to vector<16xf32>
        %gt3A_318 = arith.cmpf ogt, %get3A_317, %max3A_260 : vector<16xf32>
        %select_n3A_319 = arith.select %gt3A_318, %broadcast_in_dim3A_264, %select_n3A_259 : vector<16xi1>, vector<16xi32>
        %max3A_320 = arith.maximumf %max3A_260, %get3A_317 : vector<16xf32>
        scf.yield %max3A_271, %max3A_278, %max3A_285, %max3A_292, %max3A_299, %max3A_306, %max3A_313, %max3A_320, %select_n3A_270, %select_n3A_277, %select_n3A_284, %select_n3A_291, %select_n3A_298, %select_n3A_305, %select_n3A_312, %select_n3A_319 : vector<16xf32>, vector<16xf32>, vector<16xf32>, vector<16xf32>, vector<16xf32>, vector<16xf32>, vector<16xf32>, vector<16xf32>, vector<16xi32>, vector<16xi32>, vector<16xi32>, vector<16xi32>, vector<16xi32>, vector<16xi32>, vector<16xi32>, vector<16xi32>
      }
      %scan3A_182 = arith.constant 392 : i32
      %add3A_183 = arith.constant 2 : i32
      %add3A_184 = arith.addi %add3A_165, %add3A_183 : i32
      %lt3A_185 = arith.constant 8 : i32
      %lt3A_186 = arith.cmpi slt, %add3A_184, %lt3A_185 : i32
      %convert_element_type3A_187 = arith.extui %lt3A_186 : i1 to i32
      %cond3A_188 = arith.constant 0 : i32
      %cond3A_189 = arith.cmpi ne, %convert_element_type3A_187, %cond3A_188 : i32
      scf.if %cond3A_189 {
        %add3A_190 = arith.constant 2 : i32
        %add3A_191 = arith.addi %add3A_165, %add3A_190 : i32
        %mul3A_192 = arith.constant 392 : i32
        %mul3A_193 = arith.muli %add3A_191, %mul3A_192 : i32
        %add3A_194 = arith.addi %mul3A_2, %mul3A_193 : i32
        %min3A_195 = arith.constant 99608 : i32
        %min3A_196 = arith.minsi %add3A_194, %min3A_195 : i32
        %multiple_of3A_197 = tpu.assume_multiple %min3A_196, 8 : i32
        %dma_start3A_198 = arith.constant 0 : i32
        %dma_start3A_199 = tpu.memref_slice %arg2[%multiple_of3A_197, %dma_start3A_198] : memref<100000x128xf32, #tpu.memory_space<hbm>> -> memref<392x128xf32, #tpu.memory_space<hbm>>
        %dma_start3A_200 = arith.constant 0 : i32
        %dma_start3A_201 = tpu.memref_slice %arg2[%multiple_of3A_197, %dma_start3A_200] : memref<100000x128xf32, #tpu.memory_space<hbm>> -> memref<392x128xf32, #tpu.memory_space<hbm>>
        tpu.enqueue_dma source(%dma_start3A_201 : memref<392x128xf32, #tpu.memory_space<hbm>>) target(%arg6 : memref<392x128xf32, #tpu.memory_space<vmem>>) target_semaphore(%arg14 : memref<!tpu.dma_semaphore, #tpu.memory_space<semaphore_mem>>)
      } else {
      }
      scf.yield %scan3A_181#0, %scan3A_181#1, %scan3A_181#2, %scan3A_181#3, %scan3A_181#4, %scan3A_181#5, %scan3A_181#6, %scan3A_181#7, %scan3A_181#8, %scan3A_181#9, %scan3A_181#10, %scan3A_181#11, %scan3A_181#12, %scan3A_181#13, %scan3A_181#14, %scan3A_181#15 : vector<16xf32>, vector<16xf32>, vector<16xf32>, vector<16xf32>, vector<16xf32>, vector<16xf32>, vector<16xf32>, vector<16xf32>, vector<16xi32>, vector<16xi32>, vector<16xi32>, vector<16xi32>, vector<16xi32>, vector<16xi32>, vector<16xi32>, vector<16xi32>
    }
    %scan3A_53 = arith.constant 4 : i32
    %swap3A = arith.constant 0 : index
    %swap3A_54 = tpu.vector_load %arg7[%swap3A] {strides = array<i32>} : memref<128xf32, #tpu.memory_space<vmem>>, vector<16xf32>,
    %swap3A_55 = vector.shape_cast %swap3A_54 : vector<16xf32> to vector<16xf32>
    %swap3A_56 = vector.shape_cast %scan3A_52#0 : vector<16xf32> to vector<16xf32>
    tpu.vector_store %arg7[%swap3A], %swap3A_56 {strides = array<i32>} : memref<128xf32, #tpu.memory_space<vmem>>, vector<16xf32>,
    %swap3A_57 = arith.constant 0 : index
    %swap3A_58 = tpu.vector_load %arg8[%swap3A_57] {strides = array<i32>} : memref<128xi32, #tpu.memory_space<vmem>>, vector<16xi32>,
    %swap3A_59 = vector.shape_cast %swap3A_58 : vector<16xi32> to vector<16xi32>
    %swap3A_60 = vector.shape_cast %scan3A_52#8 : vector<16xi32> to vector<16xi32>
    tpu.vector_store %arg8[%swap3A_57], %swap3A_60 {strides = array<i32>} : memref<128xi32, #tpu.memory_space<vmem>>, vector<16xi32>,
    %swap3A_61 = arith.constant 16 : index
    %swap3A_62 = tpu.vector_load %arg7[%swap3A_61] {strides = array<i32>} : memref<128xf32, #tpu.memory_space<vmem>>, vector<16xf32>,
    %swap3A_63 = vector.shape_cast %swap3A_62 : vector<16xf32> to vector<16xf32>
    %swap3A_64 = vector.shape_cast %scan3A_52#1 : vector<16xf32> to vector<16xf32>
    tpu.vector_store %arg7[%swap3A_61], %swap3A_64 {strides = array<i32>} : memref<128xf32, #tpu.memory_space<vmem>>, vector<16xf32>,
    %swap3A_65 = arith.constant 16 : index
    %swap3A_66 = tpu.vector_load %arg8[%swap3A_65] {strides = array<i32>} : memref<128xi32, #tpu.memory_space<vmem>>, vector<16xi32>,
    %swap3A_67 = vector.shape_cast %swap3A_66 : vector<16xi32> to vector<16xi32>
    %swap3A_68 = vector.shape_cast %scan3A_52#9 : vector<16xi32> to vector<16xi32>
    tpu.vector_store %arg8[%swap3A_65], %swap3A_68 {strides = array<i32>} : memref<128xi32, #tpu.memory_space<vmem>>, vector<16xi32>,
    %swap3A_69 = arith.constant 32 : index
    %swap3A_70 = tpu.vector_load %arg7[%swap3A_69] {strides = array<i32>} : memref<128xf32, #tpu.memory_space<vmem>>, vector<16xf32>,
    %swap3A_71 = vector.shape_cast %swap3A_70 : vector<16xf32> to vector<16xf32>
    %swap3A_72 = vector.shape_cast %scan3A_52#2 : vector<16xf32> to vector<16xf32>
    tpu.vector_store %arg7[%swap3A_69], %swap3A_72 {strides = array<i32>} : memref<128xf32, #tpu.memory_space<vmem>>, vector<16xf32>,
    %swap3A_73 = arith.constant 32 : index
    %swap3A_74 = tpu.vector_load %arg8[%swap3A_73] {strides = array<i32>} : memref<128xi32, #tpu.memory_space<vmem>>, vector<16xi32>,
    %swap3A_75 = vector.shape_cast %swap3A_74 : vector<16xi32> to vector<16xi32>
    %swap3A_76 = vector.shape_cast %scan3A_52#10 : vector<16xi32> to vector<16xi32>
    tpu.vector_store %arg8[%swap3A_73], %swap3A_76 {strides = array<i32>} : memref<128xi32, #tpu.memory_space<vmem>>, vector<16xi32>,
    %swap3A_77 = arith.constant 48 : index
    %swap3A_78 = tpu.vector_load %arg7[%swap3A_77] {strides = array<i32>} : memref<128xf32, #tpu.memory_space<vmem>>, vector<16xf32>,
    %swap3A_79 = vector.shape_cast %swap3A_78 : vector<16xf32> to vector<16xf32>
    %swap3A_80 = vector.shape_cast %scan3A_52#3 : vector<16xf32> to vector<16xf32>
    tpu.vector_store %arg7[%swap3A_77], %swap3A_80 {strides = array<i32>} : memref<128xf32, #tpu.memory_space<vmem>>, vector<16xf32>,
    %swap3A_81 = arith.constant 48 : index
    %swap3A_82 = tpu.vector_load %arg8[%swap3A_81] {strides = array<i32>} : memref<128xi32, #tpu.memory_space<vmem>>, vector<16xi32>,
    %swap3A_83 = vector.shape_cast %swap3A_82 : vector<16xi32> to vector<16xi32>
    %swap3A_84 = vector.shape_cast %scan3A_52#11 : vector<16xi32> to vector<16xi32>
    tpu.vector_store %arg8[%swap3A_81], %swap3A_84 {strides = array<i32>} : memref<128xi32, #tpu.memory_space<vmem>>, vector<16xi32>,
    %swap3A_85 = arith.constant 64 : index
    %swap3A_86 = tpu.vector_load %arg7[%swap3A_85] {strides = array<i32>} : memref<128xf32, #tpu.memory_space<vmem>>, vector<16xf32>,
    %swap3A_87 = vector.shape_cast %swap3A_86 : vector<16xf32> to vector<16xf32>
    %swap3A_88 = vector.shape_cast %scan3A_52#4 : vector<16xf32> to vector<16xf32>
    tpu.vector_store %arg7[%swap3A_85], %swap3A_88 {strides = array<i32>} : memref<128xf32, #tpu.memory_space<vmem>>, vector<16xf32>,
    %swap3A_89 = arith.constant 64 : index
    %swap3A_90 = tpu.vector_load %arg8[%swap3A_89] {strides = array<i32>} : memref<128xi32, #tpu.memory_space<vmem>>, vector<16xi32>,
    %swap3A_91 = vector.shape_cast %swap3A_90 : vector<16xi32> to vector<16xi32>
    %swap3A_92 = vector.shape_cast %scan3A_52#12 : vector<16xi32> to vector<16xi32>
    tpu.vector_store %arg8[%swap3A_89], %swap3A_92 {strides = array<i32>} : memref<128xi32, #tpu.memory_space<vmem>>, vector<16xi32>,
    %swap3A_93 = arith.constant 80 : index
    %swap3A_94 = tpu.vector_load %arg7[%swap3A_93] {strides = array<i32>} : memref<128xf32, #tpu.memory_space<vmem>>, vector<16xf32>,
    %swap3A_95 = vector.shape_cast %swap3A_94 : vector<16xf32> to vector<16xf32>
    %swap3A_96 = vector.shape_cast %scan3A_52#5 : vector<16xf32> to vector<16xf32>
    tpu.vector_store %arg7[%swap3A_93], %swap3A_96 {strides = array<i32>} : memref<128xf32, #tpu.memory_space<vmem>>, vector<16xf32>,
    %swap3A_97 = arith.constant 80 : index
    %swap3A_98 = tpu.vector_load %arg8[%swap3A_97] {strides = array<i32>} : memref<128xi32, #tpu.memory_space<vmem>>, vector<16xi32>,
    %swap3A_99 = vector.shape_cast %swap3A_98 : vector<16xi32> to vector<16xi32>
    %swap3A_100 = vector.shape_cast %scan3A_52#13 : vector<16xi32> to vector<16xi32>
    tpu.vector_store %arg8[%swap3A_97], %swap3A_100 {strides = array<i32>} : memref<128xi32, #tpu.memory_space<vmem>>, vector<16xi32>,
    %swap3A_101 = arith.constant 96 : index
    %swap3A_102 = tpu.vector_load %arg7[%swap3A_101] {strides = array<i32>} : memref<128xf32, #tpu.memory_space<vmem>>, vector<16xf32>,
    %swap3A_103 = vector.shape_cast %swap3A_102 : vector<16xf32> to vector<16xf32>
    %swap3A_104 = vector.shape_cast %scan3A_52#6 : vector<16xf32> to vector<16xf32>
    tpu.vector_store %arg7[%swap3A_101], %swap3A_104 {strides = array<i32>} : memref<128xf32, #tpu.memory_space<vmem>>, vector<16xf32>,
    %swap3A_105 = arith.constant 96 : index
    %swap3A_106 = tpu.vector_load %arg8[%swap3A_105] {strides = array<i32>} : memref<128xi32, #tpu.memory_space<vmem>>, vector<16xi32>,
    %swap3A_107 = vector.shape_cast %swap3A_106 : vector<16xi32> to vector<16xi32>
    %swap3A_108 = vector.shape_cast %scan3A_52#14 : vector<16xi32> to vector<16xi32>
    tpu.vector_store %arg8[%swap3A_105], %swap3A_108 {strides = array<i32>} : memref<128xi32, #tpu.memory_space<vmem>>, vector<16xi32>,
    %swap3A_109 = arith.constant 112 : index
    %swap3A_110 = tpu.vector_load %arg7[%swap3A_109] {strides = array<i32>} : memref<128xf32, #tpu.memory_space<vmem>>, vector<16xf32>,
    %swap3A_111 = vector.shape_cast %swap3A_110 : vector<16xf32> to vector<16xf32>
    %swap3A_112 = vector.shape_cast %scan3A_52#7 : vector<16xf32> to vector<16xf32>
    tpu.vector_store %arg7[%swap3A_109], %swap3A_112 {strides = array<i32>} : memref<128xf32, #tpu.memory_space<vmem>>, vector<16xf32>,
    %swap3A_113 = arith.constant 112 : index
    %swap3A_114 = tpu.vector_load %arg8[%swap3A_113] {strides = array<i32>} : memref<128xi32, #tpu.memory_space<vmem>>, vector<16xi32>,
    %swap3A_115 = vector.shape_cast %swap3A_114 : vector<16xi32> to vector<16xi32>
    %swap3A_116 = vector.shape_cast %scan3A_52#15 : vector<16xi32> to vector<16xi32>
    tpu.vector_store %arg8[%swap3A_113], %swap3A_116 {strides = array<i32>} : memref<128xi32, #tpu.memory_space<vmem>>, vector<16xi32>,
    "tpu.region"() ({
      %run_scoped3A = tpu.sem_alloc : memref<!tpu.dma_semaphore, #tpu.memory_space<semaphore_mem>>
      %dma_start3A_119 = arith.constant 0 : i32
      %dma_start3A_120 = tpu.memref_slice %arg11[%arg1, %dma_start3A_119] : memref<16x128xf32, #tpu.memory_space<vmem_shared>> -> memref<1x128xf32, #tpu.memory_space<vmem_shared>>
      %dma_start3A_121 = tpu.memref_squeeze %dma_start3A_120 : memref<1x128xf32, #tpu.memory_space<vmem_shared>> -> memref<128xf32, #tpu.memory_space<vmem_shared>>
      %dma_start3A_122 = arith.constant 0 : i32
      %dma_start3A_123 = tpu.memref_slice %arg11[%arg1, %dma_start3A_122] : memref<16x128xf32, #tpu.memory_space<vmem_shared>> -> memref<1x128xf32, #tpu.memory_space<vmem_shared>>
      %dma_start3A_124 = tpu.memref_squeeze %dma_start3A_123 : memref<1x128xf32, #tpu.memory_space<vmem_shared>> -> memref<128xf32, #tpu.memory_space<vmem_shared>>
      tpu.enqueue_dma source(%arg7 : memref<128xf32, #tpu.memory_space<vmem>>) target(%dma_start3A_124 : memref<128xf32, #tpu.memory_space<vmem_shared>>) target_semaphore(%run_scoped3A : memref<!tpu.dma_semaphore, #tpu.memory_space<semaphore_mem>>)
      %dma_wait3A = arith.constant 0 : i32
      %dma_wait3A_125 = tpu.memref_slice %arg11[%arg1, %dma_wait3A] : memref<16x128xf32, #tpu.memory_space<vmem_shared>> -> memref<1x128xf32, #tpu.memory_space<vmem_shared>>
      %dma_wait3A_126 = tpu.memref_squeeze %dma_wait3A_125 : memref<1x128xf32, #tpu.memory_space<vmem_shared>> -> memref<128xf32, #tpu.memory_space<vmem_shared>>
      %dma_wait3A_127 = arith.constant 0 : i32
      %dma_wait3A_128 = tpu.memref_slice %arg11[%arg1, %dma_wait3A_127] : memref<16x128xf32, #tpu.memory_space<vmem_shared>> -> memref<1x128xf32, #tpu.memory_space<vmem_shared>>
      %dma_wait3A_129 = tpu.memref_squeeze %dma_wait3A_128 : memref<1x128xf32, #tpu.memory_space<vmem_shared>> -> memref<128xf32, #tpu.memory_space<vmem_shared>>
      tpu.wait_dma2 semaphore(%run_scoped3A : memref<!tpu.dma_semaphore, #tpu.memory_space<semaphore_mem>>) src(%arg7 : memref<128xf32, #tpu.memory_space<vmem>>) dst(%dma_wait3A_129 : memref<128xf32, #tpu.memory_space<vmem_shared>>)
      tpu.yield
    }) : () -> ()
    "tpu.region"() ({
      %run_scoped3A = tpu.sem_alloc : memref<!tpu.dma_semaphore, #tpu.memory_space<semaphore_mem>>
      %dma_start3A_119 = arith.constant 0 : i32
      %dma_start3A_120 = tpu.memref_slice %arg12[%arg1, %dma_start3A_119] : memref<16x128xi32, #tpu.memory_space<vmem_shared>> -> memref<1x128xi32, #tpu.memory_space<vmem_shared>>
      %dma_start3A_121 = tpu.memref_squeeze %dma_start3A_120 : memref<1x128xi32, #tpu.memory_space<vmem_shared>> -> memref<128xi32, #tpu.memory_space<vmem_shared>>
      %dma_start3A_122 = arith.constant 0 : i32
      %dma_start3A_123 = tpu.memref_slice %arg12[%arg1, %dma_start3A_122] : memref<16x128xi32, #tpu.memory_space<vmem_shared>> -> memref<1x128xi32, #tpu.memory_space<vmem_shared>>
      %dma_start3A_124 = tpu.memref_squeeze %dma_start3A_123 : memref<1x128xi32, #tpu.memory_space<vmem_shared>> -> memref<128xi32, #tpu.memory_space<vmem_shared>>
      tpu.enqueue_dma source(%arg8 : memref<128xi32, #tpu.memory_space<vmem>>) target(%dma_start3A_124 : memref<128xi32, #tpu.memory_space<vmem_shared>>) target_semaphore(%run_scoped3A : memref<!tpu.dma_semaphore, #tpu.memory_space<semaphore_mem>>)
      %dma_wait3A = arith.constant 0 : i32
      %dma_wait3A_125 = tpu.memref_slice %arg12[%arg1, %dma_wait3A] : memref<16x128xi32, #tpu.memory_space<vmem_shared>> -> memref<1x128xi32, #tpu.memory_space<vmem_shared>>
      %dma_wait3A_126 = tpu.memref_squeeze %dma_wait3A_125 : memref<1x128xi32, #tpu.memory_space<vmem_shared>> -> memref<128xi32, #tpu.memory_space<vmem_shared>>
      %dma_wait3A_127 = arith.constant 0 : i32
      %dma_wait3A_128 = tpu.memref_slice %arg12[%arg1, %dma_wait3A_127] : memref<16x128xi32, #tpu.memory_space<vmem_shared>> -> memref<1x128xi32, #tpu.memory_space<vmem_shared>>
      %dma_wait3A_129 = tpu.memref_squeeze %dma_wait3A_128 : memref<1x128xi32, #tpu.memory_space<vmem_shared>> -> memref<128xi32, #tpu.memory_space<vmem_shared>>
      tpu.wait_dma2 semaphore(%run_scoped3A : memref<!tpu.dma_semaphore, #tpu.memory_space<semaphore_mem>>) src(%arg8 : memref<128xi32, #tpu.memory_space<vmem>>) dst(%dma_wait3A_129 : memref<128xi32, #tpu.memory_space<vmem_shared>>)
      tpu.yield
    }) : () -> ()
    %barrier3A = arith.constant 0 : index
    tpu.barrier barrier_id(%barrier3A)
    %eq3A = arith.constant 0 : i32
    %eq3A_117 = arith.cmpi eq, %arg1, %eq3A : i32
    %convert_element_type3A = arith.extui %eq3A_117 : i1 to i32
    %cond3A = arith.constant 0 : i32
    %cond3A_118 = arith.cmpi ne, %convert_element_type3A, %cond3A : i32
    scf.if %cond3A_118 {
      %scan3A_119 = arith.constant 1 : i32
      %scan3A_120 = arith.constant 15 : i32
      %scan3A_121 = arith.addi %scan3A_119, %scan3A_120 : i32
      %scan3A_122 = arith.constant 1 : i32
      %scan3A_123:16 = scf.for %scan3A_189 = %scan3A_119 to %scan3A_121 step %scan3A_122 iter_args(%scan3A_190 = %scan3A_52#0, %scan3A_191 = %scan3A_52#1, %scan3A_192 = %scan3A_52#2, %scan3A_193 = %scan3A_52#3, %scan3A_194 = %scan3A_52#4, %scan3A_195 = %scan3A_52#5, %scan3A_196 = %scan3A_52#6, %scan3A_197 = %scan3A_52#7, %scan3A_198 = %scan3A_52#8, %scan3A_199 = %scan3A_52#9, %scan3A_200 = %scan3A_52#10, %scan3A_201 = %scan3A_52#11, %scan3A_202 = %scan3A_52#12, %scan3A_203 = %scan3A_52#13, %scan3A_204 = %scan3A_52#14, %scan3A_205 = %scan3A_52#15) -> (vector<16xf32>, vector<16xf32>, vector<16xf32>, vector<16xf32>, vector<16xf32>, vector<16xf32>, vector<16xf32>, vector<16xf32>, vector<16xi32>, vector<16xi32>, vector<16xi32>, vector<16xi32>, vector<16xi32>, vector<16xi32>, vector<16xi32>, vector<16xi32>)  : i32 {
        "tpu.region"() ({
          %run_scoped3A = tpu.sem_alloc : memref<!tpu.dma_semaphore, #tpu.memory_space<semaphore_mem>>
          %dma_start3A_274 = arith.constant 0 : i32
          %dma_start3A_275 = tpu.memref_slice %arg11[%scan3A_189, %dma_start3A_274] : memref<16x128xf32, #tpu.memory_space<vmem_shared>> -> memref<1x128xf32, #tpu.memory_space<vmem_shared>>
          %dma_start3A_276 = tpu.memref_squeeze %dma_start3A_275 : memref<1x128xf32, #tpu.memory_space<vmem_shared>> -> memref<128xf32, #tpu.memory_space<vmem_shared>>
          %dma_start3A_277 = arith.constant 0 : i32
          %dma_start3A_278 = tpu.memref_slice %arg11[%scan3A_189, %dma_start3A_277] : memref<16x128xf32, #tpu.memory_space<vmem_shared>> -> memref<1x128xf32, #tpu.memory_space<vmem_shared>>
          %dma_start3A_279 = tpu.memref_squeeze %dma_start3A_278 : memref<1x128xf32, #tpu.memory_space<vmem_shared>> -> memref<128xf32, #tpu.memory_space<vmem_shared>>
          tpu.enqueue_dma source(%dma_start3A_279 : memref<128xf32, #tpu.memory_space<vmem_shared>>) target(%arg9 : memref<128xf32, #tpu.memory_space<vmem>>) target_semaphore(%run_scoped3A : memref<!tpu.dma_semaphore, #tpu.memory_space<semaphore_mem>>)
          %dma_wait3A = arith.constant 0 : i32
          %dma_wait3A_280 = tpu.memref_slice %arg11[%scan3A_189, %dma_wait3A] : memref<16x128xf32, #tpu.memory_space<vmem_shared>> -> memref<1x128xf32, #tpu.memory_space<vmem_shared>>
          %dma_wait3A_281 = tpu.memref_squeeze %dma_wait3A_280 : memref<1x128xf32, #tpu.memory_space<vmem_shared>> -> memref<128xf32, #tpu.memory_space<vmem_shared>>
          %dma_wait3A_282 = arith.constant 0 : i32
          %dma_wait3A_283 = tpu.memref_slice %arg11[%scan3A_189, %dma_wait3A_282] : memref<16x128xf32, #tpu.memory_space<vmem_shared>> -> memref<1x128xf32, #tpu.memory_space<vmem_shared>>
          %dma_wait3A_284 = tpu.memref_squeeze %dma_wait3A_283 : memref<1x128xf32, #tpu.memory_space<vmem_shared>> -> memref<128xf32, #tpu.memory_space<vmem_shared>>
          tpu.wait_dma2 semaphore(%run_scoped3A : memref<!tpu.dma_semaphore, #tpu.memory_space<semaphore_mem>>) src(%dma_wait3A_284 : memref<128xf32, #tpu.memory_space<vmem_shared>>) dst(%arg9 : memref<128xf32, #tpu.memory_space<vmem>>)
          tpu.yield
        }) : () -> ()
        "tpu.region"() ({
          %run_scoped3A = tpu.sem_alloc : memref<!tpu.dma_semaphore, #tpu.memory_space<semaphore_mem>>
          %dma_start3A_274 = arith.constant 0 : i32
          %dma_start3A_275 = tpu.memref_slice %arg12[%scan3A_189, %dma_start3A_274] : memref<16x128xi32, #tpu.memory_space<vmem_shared>> -> memref<1x128xi32, #tpu.memory_space<vmem_shared>>
          %dma_start3A_276 = tpu.memref_squeeze %dma_start3A_275 : memref<1x128xi32, #tpu.memory_space<vmem_shared>> -> memref<128xi32, #tpu.memory_space<vmem_shared>>
          %dma_start3A_277 = arith.constant 0 : i32
          %dma_start3A_278 = tpu.memref_slice %arg12[%scan3A_189, %dma_start3A_277] : memref<16x128xi32, #tpu.memory_space<vmem_shared>> -> memref<1x128xi32, #tpu.memory_space<vmem_shared>>
          %dma_start3A_279 = tpu.memref_squeeze %dma_start3A_278 : memref<1x128xi32, #tpu.memory_space<vmem_shared>> -> memref<128xi32, #tpu.memory_space<vmem_shared>>
          tpu.enqueue_dma source(%dma_start3A_279 : memref<128xi32, #tpu.memory_space<vmem_shared>>) target(%arg10 : memref<128xi32, #tpu.memory_space<vmem>>) target_semaphore(%run_scoped3A : memref<!tpu.dma_semaphore, #tpu.memory_space<semaphore_mem>>)
          %dma_wait3A = arith.constant 0 : i32
          %dma_wait3A_280 = tpu.memref_slice %arg12[%scan3A_189, %dma_wait3A] : memref<16x128xi32, #tpu.memory_space<vmem_shared>> -> memref<1x128xi32, #tpu.memory_space<vmem_shared>>
          %dma_wait3A_281 = tpu.memref_squeeze %dma_wait3A_280 : memref<1x128xi32, #tpu.memory_space<vmem_shared>> -> memref<128xi32, #tpu.memory_space<vmem_shared>>
          %dma_wait3A_282 = arith.constant 0 : i32
          %dma_wait3A_283 = tpu.memref_slice %arg12[%scan3A_189, %dma_wait3A_282] : memref<16x128xi32, #tpu.memory_space<vmem_shared>> -> memref<1x128xi32, #tpu.memory_space<vmem_shared>>
          %dma_wait3A_284 = tpu.memref_squeeze %dma_wait3A_283 : memref<1x128xi32, #tpu.memory_space<vmem_shared>> -> memref<128xi32, #tpu.memory_space<vmem_shared>>
          tpu.wait_dma2 semaphore(%run_scoped3A : memref<!tpu.dma_semaphore, #tpu.memory_space<semaphore_mem>>) src(%dma_wait3A_284 : memref<128xi32, #tpu.memory_space<vmem_shared>>) dst(%arg10 : memref<128xi32, #tpu.memory_space<vmem>>)
          tpu.yield
        }) : () -> ()
        %get3A = arith.constant 0 : index
        %get3A_206 = tpu.vector_load %arg9[%get3A] {strides = array<i32>} : memref<128xf32, #tpu.memory_space<vmem>>, vector<16xf32>,
        %get3A_207 = vector.shape_cast %get3A_206 : vector<16xf32> to vector<16xf32>
        %get3A_208 = arith.constant 0 : index
        %get3A_209 = tpu.vector_load %arg10[%get3A_208] {strides = array<i32>} : memref<128xi32, #tpu.memory_space<vmem>>, vector<16xi32>,
        %get3A_210 = vector.shape_cast %get3A_209 : vector<16xi32> to vector<16xi32>
        %gt3A = arith.cmpf ogt, %get3A_207, %scan3A_190 : vector<16xf32>
        %select_n3A = arith.select %gt3A, %get3A_210, %scan3A_198 : vector<16xi1>, vector<16xi32>
        %max3A = arith.maximumf %scan3A_190, %get3A_207 : vector<16xf32>
        %get3A_211 = arith.constant 16 : index
        %get3A_212 = tpu.vector_load %arg9[%get3A_211] {strides = array<i32>} : memref<128xf32, #tpu.memory_space<vmem>>, vector<16xf32>,
        %get3A_213 = vector.shape_cast %get3A_212 : vector<16xf32> to vector<16xf32>
        %get3A_214 = arith.constant 16 : index
        %get3A_215 = tpu.vector_load %arg10[%get3A_214] {strides = array<i32>} : memref<128xi32, #tpu.memory_space<vmem>>, vector<16xi32>,
        %get3A_216 = vector.shape_cast %get3A_215 : vector<16xi32> to vector<16xi32>
        %gt3A_217 = arith.cmpf ogt, %get3A_213, %scan3A_191 : vector<16xf32>
        %select_n3A_218 = arith.select %gt3A_217, %get3A_216, %scan3A_199 : vector<16xi1>, vector<16xi32>
        %max3A_219 = arith.maximumf %scan3A_191, %get3A_213 : vector<16xf32>
        %get3A_220 = arith.constant 32 : index
        %get3A_221 = tpu.vector_load %arg9[%get3A_220] {strides = array<i32>} : memref<128xf32, #tpu.memory_space<vmem>>, vector<16xf32>,
        %get3A_222 = vector.shape_cast %get3A_221 : vector<16xf32> to vector<16xf32>
        %get3A_223 = arith.constant 32 : index
        %get3A_224 = tpu.vector_load %arg10[%get3A_223] {strides = array<i32>} : memref<128xi32, #tpu.memory_space<vmem>>, vector<16xi32>,
        %get3A_225 = vector.shape_cast %get3A_224 : vector<16xi32> to vector<16xi32>
        %gt3A_226 = arith.cmpf ogt, %get3A_222, %scan3A_192 : vector<16xf32>
        %select_n3A_227 = arith.select %gt3A_226, %get3A_225, %scan3A_200 : vector<16xi1>, vector<16xi32>
        %max3A_228 = arith.maximumf %scan3A_192, %get3A_222 : vector<16xf32>
        %get3A_229 = arith.constant 48 : index
        %get3A_230 = tpu.vector_load %arg9[%get3A_229] {strides = array<i32>} : memref<128xf32, #tpu.memory_space<vmem>>, vector<16xf32>,
        %get3A_231 = vector.shape_cast %get3A_230 : vector<16xf32> to vector<16xf32>
        %get3A_232 = arith.constant 48 : index
        %get3A_233 = tpu.vector_load %arg10[%get3A_232] {strides = array<i32>} : memref<128xi32, #tpu.memory_space<vmem>>, vector<16xi32>,
        %get3A_234 = vector.shape_cast %get3A_233 : vector<16xi32> to vector<16xi32>
        %gt3A_235 = arith.cmpf ogt, %get3A_231, %scan3A_193 : vector<16xf32>
        %select_n3A_236 = arith.select %gt3A_235, %get3A_234, %scan3A_201 : vector<16xi1>, vector<16xi32>
        %max3A_237 = arith.maximumf %scan3A_193, %get3A_231 : vector<16xf32>
        %get3A_238 = arith.constant 64 : index
        %get3A_239 = tpu.vector_load %arg9[%get3A_238] {strides = array<i32>} : memref<128xf32, #tpu.memory_space<vmem>>, vector<16xf32>,
        %get3A_240 = vector.shape_cast %get3A_239 : vector<16xf32> to vector<16xf32>
        %get3A_241 = arith.constant 64 : index
        %get3A_242 = tpu.vector_load %arg10[%get3A_241] {strides = array<i32>} : memref<128xi32, #tpu.memory_space<vmem>>, vector<16xi32>,
        %get3A_243 = vector.shape_cast %get3A_242 : vector<16xi32> to vector<16xi32>
        %gt3A_244 = arith.cmpf ogt, %get3A_240, %scan3A_194 : vector<16xf32>
        %select_n3A_245 = arith.select %gt3A_244, %get3A_243, %scan3A_202 : vector<16xi1>, vector<16xi32>
        %max3A_246 = arith.maximumf %scan3A_194, %get3A_240 : vector<16xf32>
        %get3A_247 = arith.constant 80 : index
        %get3A_248 = tpu.vector_load %arg9[%get3A_247] {strides = array<i32>} : memref<128xf32, #tpu.memory_space<vmem>>, vector<16xf32>,
        %get3A_249 = vector.shape_cast %get3A_248 : vector<16xf32> to vector<16xf32>
        %get3A_250 = arith.constant 80 : index
        %get3A_251 = tpu.vector_load %arg10[%get3A_250] {strides = array<i32>} : memref<128xi32, #tpu.memory_space<vmem>>, vector<16xi32>,
        %get3A_252 = vector.shape_cast %get3A_251 : vector<16xi32> to vector<16xi32>
        %gt3A_253 = arith.cmpf ogt, %get3A_249, %scan3A_195 : vector<16xf32>
        %select_n3A_254 = arith.select %gt3A_253, %get3A_252, %scan3A_203 : vector<16xi1>, vector<16xi32>
        %max3A_255 = arith.maximumf %scan3A_195, %get3A_249 : vector<16xf32>
        %get3A_256 = arith.constant 96 : index
        %get3A_257 = tpu.vector_load %arg9[%get3A_256] {strides = array<i32>} : memref<128xf32, #tpu.memory_space<vmem>>, vector<16xf32>,
        %get3A_258 = vector.shape_cast %get3A_257 : vector<16xf32> to vector<16xf32>
        %get3A_259 = arith.constant 96 : index
        %get3A_260 = tpu.vector_load %arg10[%get3A_259] {strides = array<i32>} : memref<128xi32, #tpu.memory_space<vmem>>, vector<16xi32>,
        %get3A_261 = vector.shape_cast %get3A_260 : vector<16xi32> to vector<16xi32>
        %gt3A_262 = arith.cmpf ogt, %get3A_258, %scan3A_196 : vector<16xf32>
        %select_n3A_263 = arith.select %gt3A_262, %get3A_261, %scan3A_204 : vector<16xi1>, vector<16xi32>
        %max3A_264 = arith.maximumf %scan3A_196, %get3A_258 : vector<16xf32>
        %get3A_265 = arith.constant 112 : index
        %get3A_266 = tpu.vector_load %arg9[%get3A_265] {strides = array<i32>} : memref<128xf32, #tpu.memory_space<vmem>>, vector<16xf32>,
        %get3A_267 = vector.shape_cast %get3A_266 : vector<16xf32> to vector<16xf32>
        %get3A_268 = arith.constant 112 : index
        %get3A_269 = tpu.vector_load %arg10[%get3A_268] {strides = array<i32>} : memref<128xi32, #tpu.memory_space<vmem>>, vector<16xi32>,
        %get3A_270 = vector.shape_cast %get3A_269 : vector<16xi32> to vector<16xi32>
        %gt3A_271 = arith.cmpf ogt, %get3A_267, %scan3A_197 : vector<16xf32>
        %select_n3A_272 = arith.select %gt3A_271, %get3A_270, %scan3A_205 : vector<16xi1>, vector<16xi32>
        %max3A_273 = arith.maximumf %scan3A_197, %get3A_267 : vector<16xf32>
        scf.yield %max3A, %max3A_219, %max3A_228, %max3A_237, %max3A_246, %max3A_255, %max3A_264, %max3A_273, %select_n3A, %select_n3A_218, %select_n3A_227, %select_n3A_236, %select_n3A_245, %select_n3A_254, %select_n3A_263, %select_n3A_272 : vector<16xf32>, vector<16xf32>, vector<16xf32>, vector<16xf32>, vector<16xf32>, vector<16xf32>, vector<16xf32>, vector<16xf32>, vector<16xi32>, vector<16xi32>, vector<16xi32>, vector<16xi32>, vector<16xi32>, vector<16xi32>, vector<16xi32>, vector<16xi32>
      }
      %scan3A_124 = arith.constant 15 : i32
      %swap3A_125 = arith.constant 0 : index
      %swap3A_126 = tpu.vector_load %arg7[%swap3A_125] {strides = array<i32>} : memref<128xf32, #tpu.memory_space<vmem>>, vector<16xf32>,
      %swap3A_127 = vector.shape_cast %swap3A_126 : vector<16xf32> to vector<16xf32>
      %swap3A_128 = vector.shape_cast %scan3A_123#0 : vector<16xf32> to vector<16xf32>
      tpu.vector_store %arg7[%swap3A_125], %swap3A_128 {strides = array<i32>} : memref<128xf32, #tpu.memory_space<vmem>>, vector<16xf32>,
      %swap3A_129 = arith.constant 0 : index
      %swap3A_130 = tpu.vector_load %arg8[%swap3A_129] {strides = array<i32>} : memref<128xi32, #tpu.memory_space<vmem>>, vector<16xi32>,
      %swap3A_131 = vector.shape_cast %swap3A_130 : vector<16xi32> to vector<16xi32>
      %swap3A_132 = vector.shape_cast %scan3A_123#8 : vector<16xi32> to vector<16xi32>
      tpu.vector_store %arg8[%swap3A_129], %swap3A_132 {strides = array<i32>} : memref<128xi32, #tpu.memory_space<vmem>>, vector<16xi32>,
      %swap3A_133 = arith.constant 16 : index
      %swap3A_134 = tpu.vector_load %arg7[%swap3A_133] {strides = array<i32>} : memref<128xf32, #tpu.memory_space<vmem>>, vector<16xf32>,
      %swap3A_135 = vector.shape_cast %swap3A_134 : vector<16xf32> to vector<16xf32>
      %swap3A_136 = vector.shape_cast %scan3A_123#1 : vector<16xf32> to vector<16xf32>
      tpu.vector_store %arg7[%swap3A_133], %swap3A_136 {strides = array<i32>} : memref<128xf32, #tpu.memory_space<vmem>>, vector<16xf32>,
      %swap3A_137 = arith.constant 16 : index
      %swap3A_138 = tpu.vector_load %arg8[%swap3A_137] {strides = array<i32>} : memref<128xi32, #tpu.memory_space<vmem>>, vector<16xi32>,
      %swap3A_139 = vector.shape_cast %swap3A_138 : vector<16xi32> to vector<16xi32>
      %swap3A_140 = vector.shape_cast %scan3A_123#9 : vector<16xi32> to vector<16xi32>
      tpu.vector_store %arg8[%swap3A_137], %swap3A_140 {strides = array<i32>} : memref<128xi32, #tpu.memory_space<vmem>>, vector<16xi32>,
      %swap3A_141 = arith.constant 32 : index
      %swap3A_142 = tpu.vector_load %arg7[%swap3A_141] {strides = array<i32>} : memref<128xf32, #tpu.memory_space<vmem>>, vector<16xf32>,
      %swap3A_143 = vector.shape_cast %swap3A_142 : vector<16xf32> to vector<16xf32>
      %swap3A_144 = vector.shape_cast %scan3A_123#2 : vector<16xf32> to vector<16xf32>
      tpu.vector_store %arg7[%swap3A_141], %swap3A_144 {strides = array<i32>} : memref<128xf32, #tpu.memory_space<vmem>>, vector<16xf32>,
      %swap3A_145 = arith.constant 32 : index
      %swap3A_146 = tpu.vector_load %arg8[%swap3A_145] {strides = array<i32>} : memref<128xi32, #tpu.memory_space<vmem>>, vector<16xi32>,
      %swap3A_147 = vector.shape_cast %swap3A_146 : vector<16xi32> to vector<16xi32>
      %swap3A_148 = vector.shape_cast %scan3A_123#10 : vector<16xi32> to vector<16xi32>
      tpu.vector_store %arg8[%swap3A_145], %swap3A_148 {strides = array<i32>} : memref<128xi32, #tpu.memory_space<vmem>>, vector<16xi32>,
      %swap3A_149 = arith.constant 48 : index
      %swap3A_150 = tpu.vector_load %arg7[%swap3A_149] {strides = array<i32>} : memref<128xf32, #tpu.memory_space<vmem>>, vector<16xf32>,
      %swap3A_151 = vector.shape_cast %swap3A_150 : vector<16xf32> to vector<16xf32>
      %swap3A_152 = vector.shape_cast %scan3A_123#3 : vector<16xf32> to vector<16xf32>
      tpu.vector_store %arg7[%swap3A_149], %swap3A_152 {strides = array<i32>} : memref<128xf32, #tpu.memory_space<vmem>>, vector<16xf32>,
      %swap3A_153 = arith.constant 48 : index
      %swap3A_154 = tpu.vector_load %arg8[%swap3A_153] {strides = array<i32>} : memref<128xi32, #tpu.memory_space<vmem>>, vector<16xi32>,
      %swap3A_155 = vector.shape_cast %swap3A_154 : vector<16xi32> to vector<16xi32>
      %swap3A_156 = vector.shape_cast %scan3A_123#11 : vector<16xi32> to vector<16xi32>
      tpu.vector_store %arg8[%swap3A_153], %swap3A_156 {strides = array<i32>} : memref<128xi32, #tpu.memory_space<vmem>>, vector<16xi32>,
      %swap3A_157 = arith.constant 64 : index
      %swap3A_158 = tpu.vector_load %arg7[%swap3A_157] {strides = array<i32>} : memref<128xf32, #tpu.memory_space<vmem>>, vector<16xf32>,
      %swap3A_159 = vector.shape_cast %swap3A_158 : vector<16xf32> to vector<16xf32>
      %swap3A_160 = vector.shape_cast %scan3A_123#4 : vector<16xf32> to vector<16xf32>
      tpu.vector_store %arg7[%swap3A_157], %swap3A_160 {strides = array<i32>} : memref<128xf32, #tpu.memory_space<vmem>>, vector<16xf32>,
      %swap3A_161 = arith.constant 64 : index
      %swap3A_162 = tpu.vector_load %arg8[%swap3A_161] {strides = array<i32>} : memref<128xi32, #tpu.memory_space<vmem>>, vector<16xi32>,
      %swap3A_163 = vector.shape_cast %swap3A_162 : vector<16xi32> to vector<16xi32>
      %swap3A_164 = vector.shape_cast %scan3A_123#12 : vector<16xi32> to vector<16xi32>
      tpu.vector_store %arg8[%swap3A_161], %swap3A_164 {strides = array<i32>} : memref<128xi32, #tpu.memory_space<vmem>>, vector<16xi32>,
      %swap3A_165 = arith.constant 80 : index
      %swap3A_166 = tpu.vector_load %arg7[%swap3A_165] {strides = array<i32>} : memref<128xf32, #tpu.memory_space<vmem>>, vector<16xf32>,
      %swap3A_167 = vector.shape_cast %swap3A_166 : vector<16xf32> to vector<16xf32>
      %swap3A_168 = vector.shape_cast %scan3A_123#5 : vector<16xf32> to vector<16xf32>
      tpu.vector_store %arg7[%swap3A_165], %swap3A_168 {strides = array<i32>} : memref<128xf32, #tpu.memory_space<vmem>>, vector<16xf32>,
      %swap3A_169 = arith.constant 80 : index
      %swap3A_170 = tpu.vector_load %arg8[%swap3A_169] {strides = array<i32>} : memref<128xi32, #tpu.memory_space<vmem>>, vector<16xi32>,
      %swap3A_171 = vector.shape_cast %swap3A_170 : vector<16xi32> to vector<16xi32>
      %swap3A_172 = vector.shape_cast %scan3A_123#13 : vector<16xi32> to vector<16xi32>
      tpu.vector_store %arg8[%swap3A_169], %swap3A_172 {strides = array<i32>} : memref<128xi32, #tpu.memory_space<vmem>>, vector<16xi32>,
      %swap3A_173 = arith.constant 96 : index
      %swap3A_174 = tpu.vector_load %arg7[%swap3A_173] {strides = array<i32>} : memref<128xf32, #tpu.memory_space<vmem>>, vector<16xf32>,
      %swap3A_175 = vector.shape_cast %swap3A_174 : vector<16xf32> to vector<16xf32>
      %swap3A_176 = vector.shape_cast %scan3A_123#6 : vector<16xf32> to vector<16xf32>
      tpu.vector_store %arg7[%swap3A_173], %swap3A_176 {strides = array<i32>} : memref<128xf32, #tpu.memory_space<vmem>>, vector<16xf32>,
      %swap3A_177 = arith.constant 96 : index
      %swap3A_178 = tpu.vector_load %arg8[%swap3A_177] {strides = array<i32>} : memref<128xi32, #tpu.memory_space<vmem>>, vector<16xi32>,
      %swap3A_179 = vector.shape_cast %swap3A_178 : vector<16xi32> to vector<16xi32>
      %swap3A_180 = vector.shape_cast %scan3A_123#14 : vector<16xi32> to vector<16xi32>
      tpu.vector_store %arg8[%swap3A_177], %swap3A_180 {strides = array<i32>} : memref<128xi32, #tpu.memory_space<vmem>>, vector<16xi32>,
      %swap3A_181 = arith.constant 112 : index
      %swap3A_182 = tpu.vector_load %arg7[%swap3A_181] {strides = array<i32>} : memref<128xf32, #tpu.memory_space<vmem>>, vector<16xf32>,
      %swap3A_183 = vector.shape_cast %swap3A_182 : vector<16xf32> to vector<16xf32>
      %swap3A_184 = vector.shape_cast %scan3A_123#7 : vector<16xf32> to vector<16xf32>
      tpu.vector_store %arg7[%swap3A_181], %swap3A_184 {strides = array<i32>} : memref<128xf32, #tpu.memory_space<vmem>>, vector<16xf32>,
      %swap3A_185 = arith.constant 112 : index
      %swap3A_186 = tpu.vector_load %arg8[%swap3A_185] {strides = array<i32>} : memref<128xi32, #tpu.memory_space<vmem>>, vector<16xi32>,
      %swap3A_187 = vector.shape_cast %swap3A_186 : vector<16xi32> to vector<16xi32>
      %swap3A_188 = vector.shape_cast %scan3A_123#15 : vector<16xi32> to vector<16xi32>
      tpu.vector_store %arg8[%swap3A_185], %swap3A_188 {strides = array<i32>} : memref<128xi32, #tpu.memory_space<vmem>>, vector<16xi32>,
      "tpu.region"() ({
        %run_scoped3A = tpu.sem_alloc : memref<!tpu.dma_semaphore, #tpu.memory_space<semaphore_mem>>
        %dma_start3A_189 = arith.constant 0 : i32
        %dma_start3A_190 = tpu.memref_slice %arg3[%arg0, %dma_start3A_189] : memref<2x128xi32, #tpu.memory_space<hbm>> -> memref<1x128xi32, #tpu.memory_space<hbm>>
        %dma_start3A_191 = tpu.memref_squeeze %dma_start3A_190 : memref<1x128xi32, #tpu.memory_space<hbm>> -> memref<128xi32, #tpu.memory_space<hbm>>
        %dma_start3A_192 = arith.constant 0 : i32
        %dma_start3A_193 = tpu.memref_slice %arg3[%arg0, %dma_start3A_192] : memref<2x128xi32, #tpu.memory_space<hbm>> -> memref<1x128xi32, #tpu.memory_space<hbm>>
        %dma_start3A_194 = tpu.memref_squeeze %dma_start3A_193 : memref<1x128xi32, #tpu.memory_space<hbm>> -> memref<128xi32, #tpu.memory_space<hbm>>
        tpu.enqueue_dma source(%arg8 : memref<128xi32, #tpu.memory_space<vmem>>) target(%dma_start3A_194 : memref<128xi32, #tpu.memory_space<hbm>>) target_semaphore(%run_scoped3A : memref<!tpu.dma_semaphore, #tpu.memory_space<semaphore_mem>>)
        %dma_wait3A = arith.constant 0 : i32
        %dma_wait3A_195 = tpu.memref_slice %arg3[%arg0, %dma_wait3A] : memref<2x128xi32, #tpu.memory_space<hbm>> -> memref<1x128xi32, #tpu.memory_space<hbm>>
        %dma_wait3A_196 = tpu.memref_squeeze %dma_wait3A_195 : memref<1x128xi32, #tpu.memory_space<hbm>> -> memref<128xi32, #tpu.memory_space<hbm>>
        %dma_wait3A_197 = arith.constant 0 : i32
        %dma_wait3A_198 = tpu.memref_slice %arg3[%arg0, %dma_wait3A_197] : memref<2x128xi32, #tpu.memory_space<hbm>> -> memref<1x128xi32, #tpu.memory_space<hbm>>
        %dma_wait3A_199 = tpu.memref_squeeze %dma_wait3A_198 : memref<1x128xi32, #tpu.memory_space<hbm>> -> memref<128xi32, #tpu.memory_space<hbm>>
        tpu.wait_dma2 semaphore(%run_scoped3A : memref<!tpu.dma_semaphore, #tpu.memory_space<semaphore_mem>>) src(%arg8 : memref<128xi32, #tpu.memory_space<vmem>>) dst(%dma_wait3A_199 : memref<128xi32, #tpu.memory_space<hbm>>)
        tpu.yield
      }) : () -> ()
      "tpu.region"() ({
        %run_scoped3A = tpu.sem_alloc : memref<!tpu.dma_semaphore, #tpu.memory_space<semaphore_mem>>
        %dma_start3A_189 = arith.constant 0 : i32
        %dma_start3A_190 = tpu.memref_slice %arg4[%arg0, %dma_start3A_189] : memref<2x128xf32, #tpu.memory_space<hbm>> -> memref<1x128xf32, #tpu.memory_space<hbm>>
        %dma_start3A_191 = tpu.memref_squeeze %dma_start3A_190 : memref<1x128xf32, #tpu.memory_space<hbm>> -> memref<128xf32, #tpu.memory_space<hbm>>
        %dma_start3A_192 = arith.constant 0 : i32
        %dma_start3A_193 = tpu.memref_slice %arg4[%arg0, %dma_start3A_192] : memref<2x128xf32, #tpu.memory_space<hbm>> -> memref<1x128xf32, #tpu.memory_space<hbm>>
        %dma_start3A_194 = tpu.memref_squeeze %dma_start3A_193 : memref<1x128xf32, #tpu.memory_space<hbm>> -> memref<128xf32, #tpu.memory_space<hbm>>
        tpu.enqueue_dma source(%arg7 : memref<128xf32, #tpu.memory_space<vmem>>) target(%dma_start3A_194 : memref<128xf32, #tpu.memory_space<hbm>>) target_semaphore(%run_scoped3A : memref<!tpu.dma_semaphore, #tpu.memory_space<semaphore_mem>>)
        %dma_wait3A = arith.constant 0 : i32
        %dma_wait3A_195 = tpu.memref_slice %arg4[%arg0, %dma_wait3A] : memref<2x128xf32, #tpu.memory_space<hbm>> -> memref<1x128xf32, #tpu.memory_space<hbm>>
        %dma_wait3A_196 = tpu.memref_squeeze %dma_wait3A_195 : memref<1x128xf32, #tpu.memory_space<hbm>> -> memref<128xf32, #tpu.memory_space<hbm>>
        %dma_wait3A_197 = arith.constant 0 : i32
        %dma_wait3A_198 = tpu.memref_slice %arg4[%arg0, %dma_wait3A_197] : memref<2x128xf32, #tpu.memory_space<hbm>> -> memref<1x128xf32, #tpu.memory_space<hbm>>
        %dma_wait3A_199 = tpu.memref_squeeze %dma_wait3A_198 : memref<1x128xf32, #tpu.memory_space<hbm>> -> memref<128xf32, #tpu.memory_space<hbm>>
        tpu.wait_dma2 semaphore(%run_scoped3A : memref<!tpu.dma_semaphore, #tpu.memory_space<semaphore_mem>>) src(%arg7 : memref<128xf32, #tpu.memory_space<vmem>>) dst(%dma_wait3A_199 : memref<128xf32, #tpu.memory_space<hbm>>)
        tpu.yield
      }) : () -> ()
    } else {
    }
    return
  }
}

</mosaic_0001>

<sc_bundles>
// kernel: kernel.3.cloned.1.call-start
scs
__scs_entry_jumppad:
0x0: {  	(pc) =	sbr.rel $0x88, $3  }
0x1: {  	(tag) =	ssettag $0x0;
	lr =	simm.s32 $0x1  }
0x2: {  	[smem:$0x3FA0] =	sst lr;
	_ =	strace $0xD0000000  }
0x3: {  	_ = 	snop  }
0x4: {  	_ = 	snop  }
0x5: {  	_ = 	snop  }
0x6: {  	_ = 	snop  }
0x7: {  	_ = 	snop  }
__scs_overlays_trampoline_lowered:
0x8: {  	[smem:$0x3FAF] =	sst s0  }
0x9: {  	[smem:$0x3FB0] =	sst s1  }
0xa: {  	[smem:$0x3FB1] =	sst s2  }
0xb: {  	[smem:$0x3FB2] =	sst s3  }
0xc: {  	[smem:$0x3FB3] =	sst s4  }
0xd: {  	[smem:$0x3FB4] =	sst s5  }
0xe: {  	[smem:$0x3FB5] =	sst s6  }
0xf: {  	[smem:$0x3FB6] =	sst s7  }
0x10: {  	[smem:$0x3FB7] =	sst s8  }
0x11: {  	[smem:$0x3FB8] =	sst s9;
	s0 =	simm.s32 @!p0 $0x0  }
0x12: {  	s1 =	sld [smem:$0x3F9E];
	s0 =	simm.s32 @p0 $0x1  }
0x13: {  	[smem:$0x3FB9] =	sst s0;
	s0 =	simm.s32 @!p1 $0x0  }
0x14: {  	s2 =	sld [smem:$0x3F9D];
	s0 =	simm.s32 @p1 $0x1  }
0x15: {  	[smem:$0x3FBA] =	sst s0;
	s0 =	simm.s32 @!p2 $0x0  }
0x16: {  	s3 =	sld [smem:$0x3FDB];
	s0 =	simm.s32 @p2 $0x1  }
0x17: {  	s4 =	simm.s32 $0x1BF5;
	[smem:$0x3FBC] =	sst s0  }
0x18: {  	s0 =	sld [smem:$0x3F9F];
	_ =	swait.ge [sflag:s4], $0x0  }
0x19: {  	s7 =	sld [smem:$0x3FA0]  }
0x1a: {  	s8 =	sadd.s32 $0xFFFFE003, lr  }
0x1b: {  	s9 =	sadd.s32 $0xFFFFFEF7, lr;
	s5 =	simm.s32 $0xFFFFFFFF;
	p2 =	slt.u32 s8, $0xFFFFF086  }
0x1c: {  	p1 =	slt.u32 s9, $0xF7A;
	s5 =	simm.s32 @!p2 $0x0  }
0x1d: {  	s5 =	simm.s32 @p1 $0x1;
	p0 =	seq.s32 s7, s2  }
0x1e: {  	s7 =	smul.u32 @!p0 $0xF7A, s2;
	p2 =	seq.s32 @!p0 s5, $0x0  }
0x1f: {  	s9 =	smul.u32 $0xF7A, s1;
	s8 =	simm.s32 @!p0 $0x1BF5;
	p2 =	por !p2, p0  }
0x20: {  	[sflag:s8] =	ssyncset.s32 @!p0 $0xFFFFF086;
	s6 =	sadd.s32 @!p0 s3, s7;
	s7 =	simm.s32 @!p0 $0x108  }
0x21: {  	s3 =	sadd.s32 s3, s9;
	s6 =	sadd.s32 @!p0 $0x88, s6;
	s7 =	simm.s32 @p2 $0x1082  }
0x22: {  	[simem:s7], [sflag:s8] =	dma.local @!p0 [hbm:s6], $0xF7A  }
0x23: {  	s9 =	sor.u32 $0xD0000000, s2;
	s6 =	simm.s32 $0x108;
	_ =	swait.ge @!p0 [sflag:s8], $0x0  }
0x24: {  	s3 =	sadd.s32 $0x88, s3;
	s6 =	simm.s32 @!p1 $0x1082;
	[sflag:s4] =	ssyncset.s32 $0xFFFFF086  }
0x25: {  	[simem:s6], [sflag:s4] =	dma.local [hbm:s3], $0xF7A  }
0x26: {  	[smem:$0x3FA0] =	sst s1;
	(tag) =	ssettag s2;
	_ =	strace s9  }
0x27: {  	s1 =	sld [smem:$0x3FB0]  }
0x28: {  	s2 =	sld [smem:$0x3FB1]  }
0x29: {  	s4 =	sld [smem:$0x3FB3]  }
0x2a: {  	p0 =	seq.s32 s5, $0x0;
	s5 =	sld [smem:$0x3FB4]  }
0x2b: {  	s6 =	sld [smem:$0x3FB5]  }
0x2c: {  	s7 =	sld [smem:$0x3FB6]  }
0x2d: {  	s3 =	simm.s32 $0x108;
	s8 =	sld [smem:$0x3FB7]  }
0x2e: {  	s3 =	simm.s32 @!p0 $0x1082;
	s9 =	sld [smem:$0x3FB8]  }
0x2f: {  	lr =	sadd.s32 s0, s3;
	s0 =	sld [smem:$0x3FAF]  }
0x30: {  	s3 =	sld [smem:$0x3FB2]  }
0x31: {  	[smem:$0x3FBB] =	sst s10  }
0x32: {  	s10 =	sld [smem:$0x3FB9];
	_ =	sdelay $0x3  }
0x33: {  	p0 =	seq.s32 s10, $0x1;
	s10 =	sld [smem:$0x3FBB];
	_ =	sdelay $0x3  }
0x34: {  	[smem:$0x3FBB] =	sst s10  }
0x35: {  	s10 =	sld [smem:$0x3FBA];
	_ =	sdelay $0x3  }
0x36: {  	p1 =	seq.s32 s10, $0x1;
	s10 =	sld [smem:$0x3FBB];
	_ =	sdelay $0x3  }
0x37: {  	[smem:$0x3FBB] =	sst s10  }
0x38: {  	s10 =	sld [smem:$0x3FBC]  }
0x39: {  	_ = 	snop;
	(pc) =	sbr.ind lr, $3  }
0x3a: {  	_ = 	snop  }
0x3b: {  	_ = 	snop  }
0x3c: {  	p2 =	seq.s32 s10, $0x1;
	s10 =	sld [smem:$0x3FBB]  }
0x3d: {  	_ =	shalt  }
0x3e: {  	_ =	shalt  }
0x3f: {  	_ =	shalt  }
0x40: {  	_ =	shalt  }
0x41: {  	_ =	shalt  }
0x42: {  	_ =	shalt  }
0x43: {  	_ =	shalt  }
0x44: {  	_ =	shalt  }
0x45: {  	_ =	shalt  }
0x46: {  	_ =	shalt  }
0x47: {  	_ =	shalt  }
0x48: {  	_ =	shalt  }
0x49: {  	_ =	shalt  }
0x4a: {  	_ =	shalt  }
0x4b: {  	_ =	shalt  }
0x4c: {  	_ =	shalt  }
0x4d: {  	_ =	shalt  }
0x4e: {  	_ =	shalt  }
0x4f: {  	_ =	shalt  }
0x50: {  	_ =	shalt  }
0x51: {  	_ =	shalt  }
0x52: {  	_ =	shalt  }
0x53: {  	_ =	shalt  }
0x54: {  	_ =	shalt  }
0x55: {  	_ =	shalt  }
0x56: {  	_ =	shalt  }
0x57: {  	_ =	shalt  }
0x58: {  	_ =	shalt  }
0x59: {  	_ =	shalt  }
0x5a: {  	_ =	shalt  }
0x5b: {  	_ =	shalt  }
0x5c: {  	_ =	shalt  }
0x5d: {  	_ =	shalt  }
0x5e: {  	_ =	shalt  }
0x5f: {  	_ =	shalt  }
0x60: {  	_ =	shalt  }
0x61: {  	_ =	shalt  }
0x62: {  	_ =	shalt  }
0x63: {  	_ =	shalt  }
0x64: {  	_ =	shalt  }
0x65: {  	_ =	shalt  }
0x66: {  	_ =	shalt  }
0x67: {  	_ =	shalt  }
0x68: {  	_ =	shalt  }
0x69: {  	_ =	shalt  }
0x6a: {  	_ =	shalt  }
0x6b: {  	_ =	shalt  }
0x6c: {  	_ =	shalt  }
0x6d: {  	_ =	shalt  }
0x6e: {  	_ =	shalt  }
0x6f: {  	_ =	shalt  }
0x70: {  	_ =	shalt  }
0x71: {  	_ =	shalt  }
0x72: {  	_ =	shalt  }
0x73: {  	_ =	shalt  }
0x74: {  	_ =	shalt  }
0x75: {  	_ =	shalt  }
0x76: {  	_ =	shalt  }
0x77: {  	_ =	shalt  }
0x78: {  	_ =	shalt  }
0x79: {  	_ =	shalt  }
0x7a: {  	_ =	shalt  }
0x7b: {  	_ =	shalt  }
0x7c: {  	_ =	shalt  }
0x7d: {  	_ =	shalt  }
0x7e: {  	_ =	shalt  }
0x7f: {  	_ =	shalt  }
0x80: {  	_ =	shalt  }
0x81: {  	_ =	shalt  }
0x82: {  	_ =	shalt  }
0x83: {  	_ =	shalt  }
0x84: {  	_ =	shalt  }
0x85: {  	_ =	shalt  }
0x86: {  	_ =	shalt  }
0x87: {  	_ =	shalt  }
.Lfunc_end0:
.L_simem_size_0:
called_computation_lowered:
.L_overlay_start_0:
0x88: {  	s2 =	sld [smem:$0x3FD9]  }
0x89: {  	s3 =	sld [smem:$0x3FFE];
	_ =	sdelay $0x1  }
0x8a: {  	s1 =	srdreg.scid  }
0x8b: {  	s0 =	sand.u32 $0x1, s1  }
0x8c: {  	s17 =	sshll.u32 s0, $0xA;
	s2 =	sadd.s32 s3, s2  }
0x8d: {  	s2 =	sadd.s32 s2, s17  }
0x8e: {  	[smem:$0x3FC7] =	sst s2  }
0x8f: {  	_ = 	snop  }
0x90: {  	s2 =	sld [smem:$0x3FC9];
	(tm) =	ssettm $0x1  }
0x91: {  	s18 =	sld [smem:$0x3FFB];
	_ =	sdelay $0x3  }
0x92: {  	_ =	strace s18  }
0x93: {  	s3 =	sld [smem:$0x3FFC];
	_ =	sdelay $0x3  }
0x94: {  	_ =	strace s3  }
0x95: {  	s3 =	sld [smem:$0x3FFD];
	_ =	sdelay $0x3  }
0x96: {  	_ =	strace s3  }
0x97: {  	_ =	strace $0x8FFFFFFF  }
0x98: {  	s19 =	sld [smem:$0x3FDB];
	_ =	sdelay $0x1  }
0x99: {  	s4 =	simm.s32 $_scs_section_size  }
0x9a: {  	s5 =	simm.s32 $_size__tile_overlayer_lowered;
	s6 =	simm.s32 $_tile_overlayer_lowered  }
0x9b: {  	s22 =	simm.s32 $0x1BFF;
	s21 =	sshll.u32 s6, $0x1;
	s3 =	sadd.s32 s4, s19  }
0x9c: {  	s7 =	simm.s32 $0x0;
	s20 =	sshll.u32 s5, $0x1;
	s5 =	sadd.s32 s21, s3  }
0x9d: {  	[timem:s7], [sflag:s22] =	dma.local [hbm:s5], s20  }
0x9e: {  	_ =	swait.ge [sflag:s22], s20  }
0x9f: {  	s4 =	ssub.s32 $0x0, s20;
	[sflag:s22] =	ssyncset.done $0x0  }
0xa0: {  	[sflag:s22] =	ssyncadd.s32 s4;
	_ =	sdelay $0x1  }
0xa1: {  	s23 =	simm.s32 $0x1B8B  }
0xa2: {  	_ =	swait.ge [sflag:s23], $0x1  }
0xa3: {  	[sflag:s23] =	ssyncset.done $0x0  }
0xa4: {  	s25 =	simm.s32 $0x1B8E;
	s24 =	sld [smem:$0x3FFE];
	[sflag:s23] =	ssyncadd.s32 $0xFFFFFFFF  }
0xa5: {  	s26 =	simm.s32 $execute0_lowered;
	[smem:$0x3FD2] =	sst s25  }
0xa6: {  	s5 =	sshll.u32 s26, $0x1;
	_ =	strace $0x80000046;
	[dreg:$0x1] =	wrdreg $0xFFFFFFFF  }
0xa7: {  	s28 =	simm.s32 $_size_execute0_lowered;
	s3 =	sadd.s32 s3, s5;
	[dreg:$0x0] =	wrdreg $0x0  }
0xa8: {  	s5 =	sshll.u32 s28, $0x1;
	[dreg:$0x2] =	wrdreg s3  }
0xa9: {  	[dreg:$0x3] =	wrdreg s5  }
0xaa: {  	[dreg:$0x4] =	wrdreg $0xC0  }
0xab: {  	_ =	task [dreg:s7], $0x5FFFF  }
0xac: {  	[dreg:$0x1] =	wrdreg $0xFFFFFFFF  }
0xad: {  	[dreg:$0x0] =	wrdreg $0x60  }
0xae: {  	[dreg:$0x2] =	wrdreg s2  }
0xaf: {  	[dreg:$0x3] =	wrdreg s24  }
0xb0: {  	[dreg:$0x4] =	wrdreg $0x18A000  }
0xb1: {  	[dreg:$0x5] =	wrdreg $0x18A800  }
0xb2: {  	[dreg:$0x6] =	wrdreg $0x9  }
0xb3: {  	_ =	task.clear_ibuf [dreg:s7], $0x7FFFF;
	_ =	strace $0x90000046  }
0xb4: {  	s29 =	simm.s32 $0x9;
	_ =	strace $0x80000048  }
0xb5: {  	_ =	swait.ge [sflag:s29], $0x1  }
0xb6: {  	[sflag:s29] =	ssyncadd.s32 $0xFFFFFFFF  }
0xb7: {  	_ =	strace $0x90000048  }
0xb8: {  	_ =	sfence  }
0xb9: {  	s30 =	sld [smem:$0x0];
	_ =	sdelay $0x2  }
0xba: {  	s31 =	sshll.u32 s1, $0xD;
	s1 =	sshrl.u32 s1, $0x2  }
0xbb: {  	s3 =	sand.u32 $0x4000, s31;
	s1 =	sadd.s32 s1, s30  }
0xbc: {  	s0 =	sor.u32 s3, s0;
	s1 =	sshll.u32 s1, $0x11  }
0xbd: {  	s0 =	sor.u32 s1, s0  }
0xbe: {  	s0 =	sadd.s32 $0x8F2B, s0  }
0xbf: {  	[sflag:s0] =	ssyncadd.remote.s32 $0x1  }
0xc0: {  	_ =	sfence.sel $0xFFFF  }
0xc1: {  	[dreg:$0x0] =	wrdreg $0xFFFFFFFF;
	(pc) =	sbr.abs _section_cstart, $3  }
0xc2: {  	[dreg:$0x1] =	wrdreg $0xFFFFFFFF  }
0xc3: {  	_ =	task.clear_ibuf [dreg:s7], $0x2FFFF;
	_ =	strace $0x9FFFFFFF  }
0xc4: {  	(tm) =	ssettm $0x7FFFFFFF  }
0xc5: {  	_ =	shalt  }
tec
execute0_lowered:
.L_overlay_start_1:
0x0: {  	(tag) =	ssettag $0x1  }
0x1: {  	s0 =	rddreg [dreg:$0x0]  }
0x2: {  	s1 =	rddreg [dreg:$0x1]  }
0x3: {  	s3 =	srdreg.scid;
	s2 =	rddreg [dreg:$0x2]  }
0x4: {  	s11 =	stileid.u32;
	s4 =	simm.s32 $0x0;
	s16 =	simm.s32 $0xC400  }
0x5: {  	s17 =	simm.s32 $0x1;
	s18 =	simm.s32 $0x2;
	s20 =	simm.s32 $0x3  }
0x6: {  	s22 =	simm.s32 $0x18900;
	s7 =	sand.u32 $0x1, s3;
	s3 =	rddreg [dreg:$0x3]  }
0x7: {  	s23 =	simm.s32 $0x18980;
	s24 =	simm.s32 $0x0;
	[smem:$0x7FF] =	sst s4  }
0x8: {  	s30 =	sshll.u32 s11, $0x7;
	s15 =	smul.u32 $0xC40, s11;
	s5 =	sshll.u32 s7, $0x4  }
0x9: {  	p0 =	sne.s32 s11, $0x0;
	s13 =	smul.u32 $0xC400, s7;
	s6 =	sor.u32 s11, s5  }
0xa: {  	_ =	strace $0x80000047;
	s9 =	ssub.s32 $0x2, s7;
	s8 =	smul.u32 $0xC400, s6  }
0xb: {  	s1 =	sadd.s32 s5, s1;
	s10 =	sshrl.u32 s9, $0x1;
	s12 =	smul.u32 $0xC40, s6  }
.Ltmp0:
0xc: {  	s14 =	ssub.s32 s9, s10;
	s31 =	sadd.s32 $0x800, s1;
	(pc) =	sbr.rel .LBB2_1-.Ltmp0, $4  }
0xd: {  	s9 =	sadd.s32 s30, s2;
	s1 =	sadd.s32 $0xA00, s1;
	[dreg:$0x5] =	wrdreg s31  }
0xe: {  	s10 =	sadd.s32 s30, s3;
	s13 =	sadd.s32 s15, s13;
	[dreg:$0x6] =	wrdreg s1  }
0xf: {  	s14 =	smax.u32 s14, $0x1;
	s15 =	sadd.s32 $0x188, s13;
	s5 =	sadd.s32 s0, s8  }
0x10: {  	s7 =	sadd.s32 $0x310, s12;
	s8 =	sadd.s32 $0x498, s12;
	s6 =	sadd.s32 $0x1880, s5  }
.LBB2_8:
0x11: {  	[tilespmem:$0x18800] =	vst v12  }
0x12: {  	[tilespmem:$0x18880] =	vst v11  }
0x13: {  	[tilespmem:$0x18810] =	vst v15  }
0x14: {  	[tilespmem:$0x18890] =	vst v8  }
0x15: {  	[tilespmem:$0x18820] =	vst v14  }
0x16: {  	[tilespmem:$0x188A0] =	vst v5  }
0x17: {  	[tilespmem:$0x18830] =	vst v10  }
0x18: {  	[tilespmem:$0x188B0] =	vst v3  }
0x19: {  	[tilespmem:$0x18840] =	vst v13  }
0x1a: {  	[tilespmem:$0x188C0] =	vst v9  }
0x1b: {  	[tilespmem:$0x18850] =	vst v2  }
0x1c: {  	[tilespmem:$0x188D0] =	vst v4  }
0x1d: {  	[tilespmem:$0x18860] =	vst v1  }
0x1e: {  	[tilespmem:$0x188E0] =	vst v0  }
0x1f: {  	[tilespmem:$0x18870] =	vst v7  }
0x20: {  	[tilespmem:$0x188F0] =	vst v6;
	s1 =	simm.s32 $0x18800  }
0x21: {  	[spmem:s9] =	stream.linear.scatter [tilespmem:s1], [sflag:$0x3], $0x80, $0x38;
	[tilespmem:$0x18B00] =	vst v63  }
0x22: {  	_ =	swait.ge [sflag:s20], $0x80  }
0x23: {  	[sflag:s20] =	ssyncset.done $0x0  }
0x24: {  	s31 =	simm.s32 $0x18880;
	[sflag:s20] =	ssyncadd.s32 $0xFFFFFF80  }
0x25: {  	[spmem:s10] =	stream.linear.scatter [tilespmem:s31], [sflag:$0x3], $0x80, $0x38;
	[tilespmem:$0x18B00] =	vst v63  }
.Ltmp1:
0x26: {  	_ =	swait.ge [sflag:s20], $0x80;
	(pc) =	sbr.rel @!p0 .LBB2_9-.Ltmp1, $3  }
0x27: {  	[sflag:s20] =	ssyncset.done $0x0  }
0x28: {  	[sflag:s20] =	ssyncadd.s32 $0xFFFFFF80  }
0x29: {  	[bflag:$0x0] =	sbarrier.arrive $0xFFFF;
	_ =	sdelay $0x1  }
.LBB2_12:
0x2a: {  	s24 =	sadd.s32 $0x1, s24  }
0x2b: {  	p1 =	sne.s32 s24, s14  }
.Ltmp2:
0x2c: {  	_ = 	snop;
	(pc) =	sbr.rel @!p1 .LBB2_13-.Ltmp2, $1  }
0x2d: {  	_ =	sdelay $0x3  }
.LBB2_1:
0x2e: {  	v7 =	vimm.f32 $-Inf  }
0x2f: {  	v6 =	vimm.s32 $0x0;
	v0 =	vimm.s32 $0x0;
	v4 =	vimm.s32 $0x0  }
0x30: {  	v9 =	vimm.s32 $0x0;
	v3 =	vimm.s32 $0x0;
	v5 =	vimm.s32 $0x0  }
0x31: {  	[tilespmem:s4], [sflag:$0x1] =	stream.linear.gather [hbm4b:s5+s4], $0xC400, $0x38;
	v8 =	vimm.s32 $0x0;
	v11 =	vimm.s32 $0x0;
	v1 =	vimm.f32 $-Inf;
	[tilespmem:$0x18B00] =	vst v63  }
0x32: {  	v2 =	vimm.f32 $-Inf;
	v13 =	vimm.f32 $-Inf;
	v10 =	vimm.f32 $-Inf;
	s25 =	smov.u32 s15;
	s26 =	smov.u32 s13;
	s28 =	simm.s32 $0x0  }
0x33: {  	v14 =	vimm.f32 $-Inf;
	v15 =	vimm.f32 $-Inf;
	v12 =	vimm.f32 $-Inf;
	[tilespmem:s16], [sflag:$0x2] =	stream.linear.gather [hbm4b:s6+s4], $0xC400, $0x38;
	[tilespmem:$0x18B00] =	vst v63  }
.LBB2_2:
0x34: {  	_ =	swait.ge [sflag:s17], $0xC400  }
0x35: {  	[sflag:s17] =	ssyncset.done $0x0  }
0x36: {  	s12 =	simm.s32 $0x80;
	[sflag:s17] =	ssyncadd.s32 $0xFFFF3C00  }
0x37: {  	v17 =	vld [tilespmem:s12+$0xFFFFFFF0]  }
0x38: {  	v26 =	vld [tilespmem:s12+$0xFFFFFF80]  }
0x39: {  	v24 =	vld [tilespmem:s12+$0xFFFFFF90]  }
0x3a: {  	v20 =	vld [tilespmem:s12+$0xFFFFFFA0]  }
0x3b: {  	v22 =	vld [tilespmem:s12+$0xFFFFFFB0]  }
0x3c: {  	v21 =	vld [tilespmem:s12+$0xFFFFFFC0]  }
0x3d: {  	v25 =	vld [tilespmem:s12+$0xFFFFFFD0]  }
0x3e: {  	v16 =	vld [tilespmem:s12+$0x20]  }
0x3f: {  	s1 =	sadd.s32 $0xFFFFFFFE, s26;
	v19 =	vld [tilespmem:s12+$0x50]  }
0x40: {  	s31 =	sadd.s32 $0x2, s1;
	v18 =	vld [tilespmem:s12+$0x70];
	vm0 =	vgt.f32 v17, v7;
	v7 =	vmax.f32 v7, v17  }
0x41: {  	v23 =	vld [tilespmem:s12+$0x0];
	vm1 =	vgt.f32 v21, v13;
	vm2 =	vgt.f32 v20, v14;
	v17 =	vsel vm0, s31, v6  }
0x42: {  	vm0 =	vgt.f32 v22, v10;
	v22 =	vmax.f32 v10, v22;
	v10 =	vsel vm1, s31, v9;
	v9 =	vld [tilespmem:s12+$0x10]  }
0x43: {  	v20 =	vmax.f32 v14, v20;
	vm3 =	vgt.f32 v24, v15;
	v14 =	vld [tilespmem:s12+$0xFFFFFFE0];
	vm4 =	vgt.f32 v26, v12  }
0x44: {  	p1 =	slt.s32 s25, $0x18518;
	v12 =	vmax.f32 v12, v26;
	v6 =	vmax.f32 v13, v21;
	v21 =	vld [tilespmem:s12+$0x30];
	vm1 =	vgt.f32 v25, v2  }
0x45: {  	s30 =	smov.u32 s25;
	s29 =	smul.u32 $0x310, s28;
	s11 =	simm.s32 $0x0;
	v13 =	vmax.f32 v15, v24;
	v24 =	vmax.f32 v2, v25;
	v25 =	vsel vm3, s31, v8;
	v8 =	vld [tilespmem:s12+$0x40]  }
0x46: {  	s30 =	simm.s32 @!p1 $0x18518;
	s1 =	sadd.s32 $0x3, s1;
	v15 =	vsel vm4, s31, v11;
	v11 =	vld [tilespmem:s12+$0x60];
	vm3 =	vgt.f32 v18, v7;
	s12 =	simm.s32 $0x180;
	v2 =	vmax.f32 v24, v19  }
.LBB2_3:
0x47: {  	v26 =	vld [tilespmem:s12+$0xFFFFFFF0];
	v5 =	vsel vm2, s31, v5;
	v4 =	vsel vm1, s31, v4;
	vm1 =	vgt.f32 v9, v13;
	s19 =	smov.u32 s11;
	s11 =	sadd.s32 $0x2, s11  }
0x48: {  	vm2 =	vgt.f32 v19, v24;
	v27 =	vld [tilespmem:s12+$0xFFFFFF80];
	p1 =	slt.u32 s11, $0x186;
	vm5 =	vgt.f32 v23, v12;
	v25 =	vsel vm1, s1, v25  }
0x49: {  	vm4 =	vgt.f32 v16, v20;
	vm1 =	vgt.f32 v21, v22;
	v22 =	vmax.f32 v22, v21;
	v24 =	vld [tilespmem:s12+$0xFFFFFF90]  }
0x4a: {  	v17 =	vsel vm3, s1, v17;
	v12 =	vmax.f32 v12, v23;
	v28 =	vld [tilespmem:s12+$0xFFFFFFA0];
	vm6 =	vgt.f32 v8, v6  }
0x4b: {  	v3 =	vsel vm0, s31, v3;
	v20 =	vmax.f32 v20, v16;
	v7 =	vmax.f32 v7, v18;
	s19 =	sadd.s32 s19, s26;
	v23 =	vld [tilespmem:s12+$0xFFFFFFB0]  }
0x4c: {  	s21 =	sadd.s32 $0x2, s19;
	v10 =	vsel vm6, s1, v10;
	v21 =	vld [tilespmem:s12+$0xFFFFFFC0];
	vm0 =	vgt.f32 v26, v7;
	v7 =	vmax.f32 v7, v26  }
0x4d: {  	v26 =	vld [tilespmem:s12+$0xFFFFFFD0];
	v17 =	vsel vm0, s21, v17;
	vm0 =	vgt.f32 v14, v1;
	v14 =	vmax.f32 v1, v14  }
0x4e: {  	v13 =	vmax.f32 v13, v9;
	v15 =	vsel vm5, s1, v15;
	v16 =	vld [tilespmem:s12+$0x20];
	v1 =	vmax.f32 v14, v11  }
0x4f: {  	s19 =	sadd.s32 $0x3, s19;
	v6 =	vmax.f32 v6, v8;
	v0 =	vsel vm0, s31, v0;
	vm0 =	vgt.f32 v11, v14;
	s31 =	smov.u32 s21;
	v19 =	vld [tilespmem:s12+$0x50]  }
0x50: {  	v5 =	vsel vm4, s1, v5;
	v4 =	vsel vm2, s1, v4;
	v0 =	vsel vm0, s1, v0;
	v18 =	vld [tilespmem:s12+$0x70]  }
0x51: {  	v3 =	vsel vm1, s1, v3;
	s1 =	smov.u32 s19;
	vm2 =	vgt.f32 v21, v6;
	v6 =	vmax.f32 v6, v21;
	v21 =	vld [tilespmem:s12+$0x30]  }
.Ltmp3:
0x52: {  	vm0 =	vgt.f32 v23, v22;
	v22 =	vmax.f32 v22, v23;
	v10 =	vsel vm2, s31, v10;
	v9 =	vld [tilespmem:s12+$0x10];
	(pc) =	sbr.rel @p1 .LBB2_3-.Ltmp3, $4  }
0x53: {  	vm2 =	vgt.f32 v28, v20;
	v20 =	vmax.f32 v20, v28;
	vm1 =	vgt.f32 v26, v2;
	v23 =	vld [tilespmem:s12+$0x0]  }
0x54: {  	vm3 =	vgt.f32 v24, v13;
	v13 =	vmax.f32 v13, v24;
	v24 =	vmax.f32 v2, v26;
	v14 =	vld [tilespmem:s12+$0xFFFFFFE0]  }
0x55: {  	vm4 =	vgt.f32 v27, v12;
	v25 =	vsel vm3, s31, v25;
	v2 =	vmax.f32 v24, v19;
	v8 =	vld [tilespmem:s12+$0x40]  }
0x56: {  	v12 =	vmax.f32 v12, v27;
	v15 =	vsel vm4, s31, v15;
	vm3 =	vgt.f32 v18, v7;
	v11 =	vld [tilespmem:s12+$0x60];
	s12 =	sadd.s32 $0x100, s12  }
0x57: {  	p1 =	seq.s32 s28, $0x3  }
0x58: {  	s11 =	sadd.s32 @!p1 s29, s7  }
0x59: {  	p2 =	slt.s32 @!p1 s11, $0x18518  }
0x5a: {  	p2 =	por !p2, p1  }
0x5b: {  	s11 =	simm.s32 @p2 $0x18518  }
0x5c: {  	s11 =	sshll.u32 @!p1 s11, $0x4  }
0x5d: {  	s12 =	simm.s32 @!p1 $0x0;
	s11 =	sadd.s32 @!p1 s0, s11  }
0x5e: {  	[tilespmem:s12], [sflag:$0x1] =	stream.linear.gather @!p1 [hbm4b:s11+s12], $0xC400, $0x38;
	[tilespmem:$0x18B00] =	vst v63  }
0x5f: {  	_ =	swait.ge [sflag:s18], $0xC400  }
0x60: {  	[sflag:s18] =	ssyncset.done $0x0  }
0x61: {  	s21 =	simm.s32 $0xC480;
	[sflag:s18] =	ssyncadd.s32 $0xFFFF3C00  }
0x62: {  	v5 =	vsel vm2, s31, v5;
	vm2 =	vgt.f32 v9, v13;
	vm4 =	vgt.f32 v19, v24;
	v24 =	vld [tilespmem:s21+$0xFFFFFFF0]  }
0x63: {  	v19 =	vsel vm1, s31, v4;
	vm1 =	vgt.f32 v21, v22;
	v21 =	vmax.f32 v22, v21;
	v26 =	vld [tilespmem:s21+$0xFFFFFF80]  }
0x64: {  	v25 =	vsel vm2, s1, v25;
	vm2 =	vgt.f32 v23, v12;
	v27 =	vmax.f32 v12, v23;
	v23 =	vld [tilespmem:s21+$0xFFFFFF90]  }
0x65: {  	v3 =	vsel vm0, s31, v3;
	v7 =	vmax.f32 v7, v18;
	v12 =	vsel vm3, s1, v17;
	v17 =	vld [tilespmem:s21+$0xFFFFFFA0]  }
0x66: {  	vm3 =	vgt.f32 v16, v20;
	v16 =	vmax.f32 v20, v16;
	vm0 =	vgt.f32 v8, v6;
	v18 =	vld [tilespmem:s21+$0xFFFFFFB0]  }
0x67: {  	v4 =	vmax.f32 v1, v14;
	v22 =	vsel vm0, s1, v10;
	vm0 =	vgt.f32 v14, v1;
	v14 =	vld [tilespmem:s21+$0xFFFFFFC0]  }
0x68: {  	v19 =	vsel vm4, s1, v19;
	v28 =	vsel vm2, s1, v15;
	v15 =	vmax.f32 v13, v9;
	v29 =	vld [tilespmem:s21+$0xFFFFFFD0]  }
0x69: {  	v1 =	vmax.f32 v4, v11;
	v0 =	vsel vm0, s31, v0;
	vm0 =	vgt.f32 v11, v4;
	v4 =	vld [tilespmem:s21+$0x20]  }
0x6a: {  	v9 =	vsel vm1, s1, v3;
	v13 =	vmax.f32 v6, v8;
	v8 =	vsel vm3, s1, v5;
	v10 =	vld [tilespmem:s21+$0x50]  }
0x6b: {  	s19 =	sadd.s32 $0xFFFFFFFE, s30;
	v0 =	vsel vm0, s1, v0;
	vm0 =	vgt.f32 v24, v7;
	v3 =	vmax.f32 v7, v24;
	v7 =	vld [tilespmem:s21+$0x70]  }
0x6c: {  	s1 =	sadd.s32 $0x2, s19;
	vm1 =	vgt.f32 v14, v13;
	v5 =	vmax.f32 v13, v14;
	v20 =	vmax.f32 v21, v18;
	v13 =	vld [tilespmem:s21+$0x10]  }
0x6d: {  	v14 =	vmax.f32 v16, v17;
	vm2 =	vgt.f32 v29, v2;
	v6 =	vsel vm0, s1, v12;
	v12 =	vld [tilespmem:s21+$0x30]  }
0x6e: {  	vm3 =	vgt.f32 v23, v15;
	v15 =	vmax.f32 v15, v23;
	v11 =	vsel vm1, s1, v22;
	v22 =	vld [tilespmem:s21+$0x0]  }
0x6f: {  	v23 =	vmax.f32 v2, v29;
	vm4 =	vgt.f32 v26, v27;
	vm1 =	vgt.f32 v17, v16;
	v17 =	vld [tilespmem:s21+$0xFFFFFFE0]  }
0x70: {  	v24 =	vmax.f32 v27, v26;
	vm0 =	vgt.f32 v18, v21;
	v25 =	vsel vm3, s1, v25;
	v16 =	vld [tilespmem:s21+$0x40]  }
0x71: {  	s31 =	sadd.s32 $0x3, s19;
	s11 =	simm.s32 $0x0;
	s12 =	simm.s32 $0xC580;
	v2 =	vmax.f32 v23, v10;
	v21 =	vsel vm4, s1, v28;
	v18 =	vld [tilespmem:s21+$0x60];
	vm3 =	vgt.f32 v7, v3  }
.LBB2_5:
0x72: {  	v26 =	vld [tilespmem:s12+$0xFFFFFFF0];
	v8 =	vsel vm1, s1, v8;
	v19 =	vsel vm2, s1, v19;
	vm1 =	vgt.f32 v13, v15;
	s19 =	smov.u32 s11;
	s11 =	sadd.s32 $0x2, s11  }
0x73: {  	vm2 =	vgt.f32 v10, v23;
	v27 =	vld [tilespmem:s12+$0xFFFFFF80];
	p2 =	slt.u32 s11, $0x186;
	vm5 =	vgt.f32 v22, v24;
	v25 =	vsel vm1, s31, v25  }
0x74: {  	vm4 =	vgt.f32 v4, v14;
	vm1 =	vgt.f32 v12, v20;
	v20 =	vmax.f32 v20, v12;
	v23 =	vld [tilespmem:s12+$0xFFFFFF90]  }
0x75: {  	v6 =	vsel vm3, s31, v6;
	v24 =	vmax.f32 v24, v22;
	v28 =	vld [tilespmem:s12+$0xFFFFFFA0];
	vm6 =	vgt.f32 v16, v5  }
0x76: {  	v9 =	vsel vm0, s1, v9;
	v14 =	vmax.f32 v14, v4;
	v3 =	vmax.f32 v3, v7;
	s19 =	sadd.s32 s19, s30;
	v22 =	vld [tilespmem:s12+$0xFFFFFFB0]  }
0x77: {  	s21 =	sadd.s32 $0x2, s19;
	v11 =	vsel vm6, s31, v11;
	v12 =	vld [tilespmem:s12+$0xFFFFFFC0];
	vm0 =	vgt.f32 v26, v3;
	v3 =	vmax.f32 v3, v26  }
0x78: {  	v7 =	vmax.f32 v1, v17;
	v26 =	vld [tilespmem:s12+$0xFFFFFFD0];
	v6 =	vsel vm0, s21, v6;
	vm0 =	vgt.f32 v17, v1  }
0x79: {  	v15 =	vmax.f32 v15, v13;
	v21 =	vsel vm5, s31, v21;
	v1 =	vmax.f32 v7, v18;
	v4 =	vld [tilespmem:s12+$0x20]  }
0x7a: {  	s19 =	sadd.s32 $0x3, s19;
	v5 =	vmax.f32 v5, v16;
	v0 =	vsel vm0, s1, v0;
	vm0 =	vgt.f32 v18, v7;
	s1 =	smov.u32 s21;
	v10 =	vld [tilespmem:s12+$0x50]  }
0x7b: {  	v8 =	vsel vm4, s31, v8;
	v19 =	vsel vm2, s31, v19;
	v0 =	vsel vm0, s31, v0;
	v7 =	vld [tilespmem:s12+$0x70]  }
0x7c: {  	v9 =	vsel vm1, s31, v9;
	s31 =	smov.u32 s19;
	vm2 =	vgt.f32 v12, v5;
	v5 =	vmax.f32 v5, v12;
	v12 =	vld [tilespmem:s12+$0x30]  }
.Ltmp4:
0x7d: {  	vm0 =	vgt.f32 v22, v20;
	v20 =	vmax.f32 v20, v22;
	v11 =	vsel vm2, s1, v11;
	v13 =	vld [tilespmem:s12+$0x10];
	(pc) =	sbr.rel @p2 .LBB2_5-.Ltmp4, $4  }
0x7e: {  	vm1 =	vgt.f32 v28, v14;
	v14 =	vmax.f32 v14, v28;
	vm2 =	vgt.f32 v26, v2;
	v22 =	vld [tilespmem:s12+$0x0]  }
0x7f: {  	vm3 =	vgt.f32 v23, v15;
	v15 =	vmax.f32 v15, v23;
	v23 =	vmax.f32 v2, v26;
	v17 =	vld [tilespmem:s12+$0xFFFFFFE0]  }
0x80: {  	vm4 =	vgt.f32 v27, v24;
	v25 =	vsel vm3, s1, v25;
	v2 =	vmax.f32 v23, v10;
	v16 =	vld [tilespmem:s12+$0x40]  }
0x81: {  	v24 =	vmax.f32 v24, v27;
	v21 =	vsel vm4, s1, v21;
	vm3 =	vgt.f32 v7, v3;
	v18 =	vld [tilespmem:s12+$0x60];
	s12 =	sadd.s32 $0x100, s12  }
0x82: {  	v26 =	vsel vm1, s1, v8  }
0x83: {  	v19 =	vsel vm2, s1, v19;
	vm11 =	vgt.f32 v13, v15;
	vm13 =	vgt.f32 v10, v23  }
0x84: {  	vm4 =	vgt.f32 v4, v14;
	vm5 =	vgt.f32 v12, v20;
	v10 =	vmax.f32 v20, v12  }
0x85: {  	v6 =	vsel vm3, s31, v6;
	v63 =	vsel vm0, s1, v9;
	v14 =	vmax.f32 v14, v4  }
0x86: {  	v7 =	vmax.f32 v3, v7;
	v15 =	vmax.f32 v15, v13;
	vm12 =	vgt.f32 v22, v24  }
.Ltmp5:
0x87: {  	v8 =	vsel vm11, s31, v25;
	v12 =	vmax.f32 v24, v22;
	v4 =	vsel vm13, s31, v19;
	(pc) =	sbr.rel @p1 .LBB2_8-.Ltmp5, $4  }
0x88: {  	vm14 =	vgt.f32 v17, v1;
	v3 =	vmax.f32 v1, v17;
	vm6 =	vgt.f32 v16, v5  }
0x89: {  	v0 =	vsel vm14, s1, v0;
	v13 =	vmax.f32 v5, v16;
	v5 =	vsel vm4, s31, v26  }
0x8a: {  	v9 =	vsel vm6, s31, v11;
	v11 =	vsel vm12, s31, v21;
	vm15 =	vgt.f32 v18, v3  }
0x8b: {  	v1 =	vmax.f32 v3, v18;
	v3 =	vsel vm5, s31, v63;
	v0 =	vsel vm15, s31, v0  }
0x8c: {  	s1 =	sadd.s32 s29, s8  }
.Ltmp6:
0x8d: {  	p1 =	slt.s32 s1, $0x18518;
	(pc) =	sbr.rel .LBB2_2-.Ltmp6, $4  }
0x8e: {  	s1 =	simm.s32 @!p1 $0x18518  }
0x8f: {  	s28 =	sadd.s32 $0x1, s28;
	s1 =	sshll.u32 s1, $0x4  }
0x90: {  	s26 =	sadd.s32 $0x310, s26;
	s25 =	sadd.s32 $0x310, s25;
	s1 =	sadd.s32 s0, s1  }
0x91: {  	[tilespmem:s16], [sflag:$0x2] =	stream.linear.gather [hbm4b:s1+s4], $0xC400, $0x38;
	[tilespmem:$0x18B00] =	vst v63  }
.LBB2_9:
0x92: {  	s1 =	sadd.s32 $0x80, s2  }
0x93: {  	[tilespmem:s22], [sflag:$0x3] =	stream.linear.gather [spmem:s1], $0x80, $0x38;
	[tilespmem:$0x18B00] =	vst v63  }
0x94: {  	_ =	swait.ge [sflag:s20], $0x80  }
0x95: {  	[sflag:s20] =	ssyncset.done $0x0  }
0x96: {  	s31 =	sadd.s32 $0x80, s3;
	[sflag:s20] =	ssyncadd.s32 $0xFFFFFF80  }
0x97: {  	[tilespmem:s23], [sflag:$0x3] =	stream.linear.gather [spmem:s31], $0x80, $0x38;
	[tilespmem:$0x18B00] =	vst v63  }
0x98: {  	_ =	swait.ge [sflag:s20], $0x80  }
0x99: {  	[sflag:s20] =	ssyncset.done $0x0  }
0x9a: {  	[sflag:s20] =	ssyncadd.s32 $0xFFFFFF80  }
0x9b: {  	v16 =	vld [tilespmem:$0x189C0]  }
0x9c: {  	v21 =	vld [tilespmem:$0x18980]  }
0x9d: {  	v17 =	vld [tilespmem:$0x189B0]  }
0x9e: {  	v20 =	vld [tilespmem:$0x18990]  }
0x9f: {  	v18 =	vld [tilespmem:$0x189F0]  }
0xa0: {  	s1 =	simm.s32 $0x400;
	v19 =	vld [tilespmem:$0x189E0]  }
.LBB2_10:
0xa1: {  	p1 =	sne.s32 s1, $0x1E00;
	v22 =	vld [tilespmem:$0x189D0];
	s11 =	smov.u32 s1;
	s1 =	sadd.s32 $0x200, s1  }
0xa2: {  	v23 =	vld [tilespmem:$0x18970]  }
0xa3: {  	v24 =	vld [tilespmem:$0x18950]  }
0xa4: {  	v25 =	vld [tilespmem:$0x18960]  }
0xa5: {  	v26 =	vld [tilespmem:$0x18910]  }
0xa6: {  	v27 =	vld [tilespmem:$0x18930]  }
0xa7: {  	v28 =	vld [tilespmem:$0x18940];
	vm0 =	vgt.f32 v23, v7;
	v7 =	vmax.f32 v7, v23  }
0xa8: {  	v23 =	vld [tilespmem:$0x18900];
	vm1 =	vgt.f32 v24, v2;
	v2 =	vmax.f32 v2, v24  }
0xa9: {  	s11 =	sshra.s32 s11, $0x2;
	v24 =	vld [tilespmem:$0x18920];
	v4 =	vsel vm1, v22, v4;
	vm1 =	vgt.f32 v25, v1;
	v1 =	vmax.f32 v1, v25  }
0xaa: {  	s12 =	sadd.s32 s11, s2;
	vm2 =	vgt.f32 v26, v15;
	v15 =	vmax.f32 v15, v26;
	v22 =	vld [tilespmem:$0x189A0]  }
0xab: {  	v6 =	vsel vm0, v18, v6;
	[tilespmem:s22], [sflag:$0x3] =	stream.linear.gather [spmem:s12], $0x80, $0x38;
	vm3 =	vgt.f32 v27, v10;
	[tilespmem:$0x18B00] =	vst v63  }
0xac: {  	v0 =	vsel vm1, v19, v0;
	_ =	swait.ge [sflag:s20], $0x80;
	vm0 =	vgt.f32 v28, v13  }
0xad: {  	v10 =	vmax.f32 v10, v27;
	v13 =	vmax.f32 v13, v28;
	[sflag:s20] =	ssyncset.done $0x0;
	vm1 =	vgt.f32 v23, v12  }
0xae: {  	s11 =	sadd.s32 s11, s3;
	[sflag:s20] =	ssyncadd.s32 $0xFFFFFF80;
	v11 =	vsel vm1, v21, v11;
	vm1 =	vgt.f32 v24, v14;
	v14 =	vmax.f32 v14, v24  }
0xaf: {  	v8 =	vsel vm2, v20, v8;
	v9 =	vsel vm0, v16, v9;
	[tilespmem:s23], [sflag:$0x3] =	stream.linear.gather [spmem:s11], $0x80, $0x38;
	v5 =	vsel vm1, v22, v5;
	[tilespmem:$0x18B00] =	vst v63  }
0xb0: {  	v3 =	vsel vm3, v17, v3;
	v12 =	vmax.f32 v12, v23;
	_ =	swait.ge [sflag:s20], $0x80  }
0xb1: {  	[sflag:s20] =	ssyncset.done $0x0  }
0xb2: {  	[sflag:s20] =	ssyncadd.s32 $0xFFFFFF80  }
0xb3: {  	v16 =	vld [tilespmem:$0x189C0]  }
.Ltmp7:
0xb4: {  	v21 =	vld [tilespmem:$0x18980];
	(pc) =	sbr.rel @p1 .LBB2_10-.Ltmp7, $4  }
0xb5: {  	v17 =	vld [tilespmem:$0x189B0]  }
0xb6: {  	v20 =	vld [tilespmem:$0x18990]  }
0xb7: {  	v18 =	vld [tilespmem:$0x189F0]  }
0xb8: {  	v19 =	vld [tilespmem:$0x189E0]  }
0xb9: {  	v22 =	vld [tilespmem:$0x18900]  }
0xba: {  	v23 =	vld [tilespmem:$0x18910]  }
0xbb: {  	v24 =	vld [tilespmem:$0x18920]  }
0xbc: {  	v50 =	vld [tilespmem:$0x18930]  }
0xbd: {  	v52 =	vld [tilespmem:$0x18940]  }
0xbe: {  	v54 =	vld [tilespmem:$0x18950];
	v49 =	vmax.f32 v12, v22  }
0xbf: {  	v57 =	vld [tilespmem:$0x18960];
	v51 =	vmax.f32 v15, v23;
	[tilespmem:$0x18800] =	vst v49  }
0xc0: {  	v59 =	vld [tilespmem:$0x18970];
	v53 =	vmax.f32 v14, v24;
	[tilespmem:$0x18810] =	vst v51  }
0xc1: {  	v56 =	vmax.f32 v10, v50;
	[tilespmem:$0x18820] =	vst v53  }
0xc2: {  	v58 =	vmax.f32 v13, v52;
	[tilespmem:$0x18830] =	vst v56  }
0xc3: {  	v25 =	vld [tilespmem:$0x189A0];
	v60 =	vmax.f32 v2, v54;
	[tilespmem:$0x18840] =	vst v58  }
0xc4: {  	v61 =	vmax.f32 v1, v57;
	[tilespmem:$0x18850] =	vst v60  }
0xc5: {  	vm0 =	vgt.f32 v22, v12;
	v62 =	vmax.f32 v7, v59;
	[tilespmem:$0x18860] =	vst v61  }
0xc6: {  	v55 =	vld [tilespmem:$0x189D0];
	vm9 =	vgt.f32 v23, v15;
	v11 =	vsel vm0, v21, v11;
	[tilespmem:$0x18870] =	vst v62  }
0xc7: {  	vm10 =	vgt.f32 v24, v14;
	v8 =	vsel vm9, v20, v8;
	[tilespmem:$0x18880] =	vst v11  }
0xc8: {  	vm11 =	vgt.f32 v50, v10;
	v5 =	vsel vm10, v25, v5;
	[tilespmem:$0x18890] =	vst v8  }
0xc9: {  	vm12 =	vgt.f32 v52, v13;
	v3 =	vsel vm11, v17, v3;
	[tilespmem:$0x188A0] =	vst v5  }
0xca: {  	vm13 =	vgt.f32 v54, v2;
	v9 =	vsel vm12, v16, v9;
	[tilespmem:$0x188B0] =	vst v3  }
0xcb: {  	vm14 =	vgt.f32 v57, v1;
	v4 =	vsel vm13, v55, v4;
	[tilespmem:$0x188C0] =	vst v9  }
0xcc: {  	vm15 =	vgt.f32 v59, v7;
	v0 =	vsel vm14, v19, v0;
	[tilespmem:$0x188D0] =	vst v4  }
0xcd: {  	v63 =	vsel vm15, v18, v6;
	[tilespmem:$0x188E0] =	vst v0  }
0xce: {  	s1 =	rddreg [dreg:$0x5];
	s11 =	simm.s32 $0x18880;
	[tilespmem:$0x188F0] =	vst v63  }
0xcf: {  	[hbm4b:s1+s4] =	stream.linear.scatter [tilespmem:s11], [sflag:$0x3], $0x80, $0x38;
	[tilespmem:$0x18B00] =	vst v63  }
0xd0: {  	_ =	swait.ge [sflag:s20], $0x80  }
0xd1: {  	s31 =	simm.s32 $0x18800;
	[sflag:s20] =	ssyncset.done $0x0  }
.Ltmp8:
0xd2: {  	s30 =	rddreg [dreg:$0x6];
	[sflag:s20] =	ssyncadd.s32 $0xFFFFFF80;
	(pc) =	sbr.rel .LBB2_12-.Ltmp8, $4  }
0xd3: {  	[hbm4b:s30+s4] =	stream.linear.scatter [tilespmem:s31], [sflag:$0x3], $0x80, $0x38;
	[tilespmem:$0x18B00] =	vst v63  }
0xd4: {  	_ =	swait.ge [sflag:s20], $0x80  }
0xd5: {  	[sflag:s20] =	ssyncset.done $0x0  }
0xd6: {  	[sflag:s20] =	ssyncadd.s32 $0xFFFFFF80  }
.LBB2_13:
0xd7: {  	_ =	sfence.sel $0x180000  }
0xd8: {  	[bflag:$0x0] =	sbarrier.arrive $0xFFFF  }
0xd9: {  	_ =	strace $0x90000047  }
0xda: {  	[bflag:$0x2] =	sbarrier.arrive $0xFFFF  }
0xdb: {  	s0 =	rddreg [dreg:$0x4]  }
0xdc: {  	s0 =	sadd.s32 @!p0 $0x100000, s0  }
0xdd: {  	[sflag:s0] =	ssyncadd.tile.s32 @!p0 $0x1;
	_ =	shalt  }
.Lfunc_end2:
_tile_overlayer_lowered:
.L_overlay_start_2:
0xde: {  	(tag) =	ssettag $0x2  }
0xdf: {  	s0 =	rddreg [dreg:$0x0];
	s2 =	stileid.u32  }
0xe0: {  	s1 =	rddreg [dreg:$0x1];
	p0 =	sne.s32 s2, $0x0  }
0xe1: {  	s3 =	rddreg [dreg:$0x2];
	[bflag:$0x3] =	sbarrier.arrive $0xFFFF;
	s2 =	simm.s32 @!p0 $0x1C03  }
0xe2: {  	[timem:s3], [sflag:s2] =	dma.local @!p0 [hbm:s0], s1  }
0xe3: {  	s0 =	simm.s32 @!p0 $0x3  }
0xe4: {  	_ =	swait.ge @!p0 [sflag:s0], s1  }
0xe5: {  	s1 =	ssub.s32 @!p0 $0x0, s1;
	[sflag:s0] =	ssyncset.done @!p0 $0x0  }
0xe6: {  	[sflag:s0] =	ssyncadd.s32 @!p0 s1  }
0xe7: {  	[bflag:$0x3] =	sbarrier.arrive $0xFFFF  }
0xe8: {  	_ =	shalt  }

</sc_bundles>
